<compile_context>
chip_gen: v7x
topology: tpu7x:2x2x1
jax: 0.10.2.dev20260603
libtpu: 0.0.44.dev20260713+nightly
codegen_flags: <defaults>
</compile_context>

<pallas_src>
import functools

import jax
import jax.numpy as jnp
from jax import lax
from jax.experimental import pallas as pl
from jax.experimental.pallas import tpu as pltpu
from jax.experimental.pallas import tpu_sc as plsc

VOCAB = 26
NSEG = 15
DM = 512
B = 4096
S = 64
COMBO = 400
NTOK = B * S
PB = 8

NC, NS = 2, 16
NW = NC * NS
TPW = NTOK // NW
G = 64
NG = TPW // G
NBUF = 2
LOOKAHEAD = 1


def _table_body(tok_ref, seg_ref, pos_ref, g_ref, b_ref, out_ref, tokseg_ref):
    @pl.when(pl.program_id(0) == 0)
    def _():
        r_v = lax.broadcasted_iota(jnp.int32, (COMBO, VOCAB), 0)
        c_v = lax.broadcasted_iota(jnp.int32, (COMBO, VOCAB), 1)
        ohv = (r_v // NSEG == c_v).astype(jnp.float32)
        r_g = lax.broadcasted_iota(jnp.int32, (COMBO, NSEG), 0)
        c_g = lax.broadcasted_iota(jnp.int32, (COMBO, NSEG), 1)
        ohg = (r_g % NSEG == c_g).astype(jnp.float32)
        tokseg_ref[...] = lax.dot(
            ohv, tok_ref[...], precision=lax.Precision.HIGHEST
        ) + lax.dot(ohg, seg_ref[...], precision=lax.Precision.HIGHEST)

    pos_blk = pos_ref[pl.ds(pl.program_id(0) * PB, PB), :]
    emb = tokseg_ref[...][None, :, :] + pos_blk[:, None, :]
    mean = jnp.mean(emb, axis=2, keepdims=True)
    var = jnp.mean(emb * emb, axis=2, keepdims=True) - mean * mean
    rstd = lax.rsqrt(var + 1e-5)
    scale = rstd * g_ref[...][None, :, :]
    shift = b_ref[...][None, :, :] - mean * scale
    out_ref[...] = emb * scale + shift


_table_call = pl.pallas_call(
    _table_body,
    grid=(S // PB,),
    in_specs=[
        pl.BlockSpec((VOCAB, DM), lambda s: (0, 0)),
        pl.BlockSpec((NSEG, DM), lambda s: (0, 0)),
        pl.BlockSpec((70, DM), lambda s: (0, 0)),
        pl.BlockSpec((1, DM), lambda s: (0, 0)),
        pl.BlockSpec((1, DM), lambda s: (0, 0)),
    ],
    out_specs=pl.BlockSpec((PB, COMBO, DM), lambda s: (s, 0, 0)),
    out_shape=jax.ShapeDtypeStruct((S, COMBO, DM), jnp.float32),
    scratch_shapes=[pltpu.VMEM((COMBO, DM), jnp.float32)],
)


@functools.cache
def _sc_gather_call():
    mesh = plsc.VectorSubcoreMesh(
        core_axis_name="c", subcore_axis_name="s", num_cores=NC, num_subcores=NS
    )

    @functools.partial(
        pl.kernel,
        out_type=jax.ShapeDtypeStruct((NTOK, DM), jnp.float32),
        mesh=mesh,
        scratch_types=[
            pltpu.VMEM((NG, G), jnp.int32),
            pltpu.VMEM((NG, G), jnp.int32),
            pltpu.VMEM((NG, G), jnp.int32),
        ]
        + [pltpu.VMEM((G, DM), jnp.float32) for _ in range(NBUF)]
        + [pltpu.SemaphoreType.DMA for _ in range(2 * NBUF)],
    )
    def _sc_gather(table_hbm, x_hbm, seg_hbm, out_hbm, idx_v, x_v, seg_v, *bufs_and_sems):
        bufs = bufs_and_sems[:NBUF]
        sem_g = bufs_and_sems[NBUF : 2 * NBUF]
        sem_s = bufs_and_sems[2 * NBUF : 3 * NBUF]
        wid = lax.axis_index("s") * NC + lax.axis_index("c")
        pltpu.sync_copy(x_hbm.at[wid], x_v)
        pltpu.sync_copy(seg_hbm.at[wid], seg_v)
        base = wid * TPW

        def make_idx(r, carry):
            for q in range(G // 16):
                posq = (
                    lax.broadcasted_iota(jnp.int32, (16,), 0) + (q * 16)
                ) * COMBO
                sl = pl.ds(q * 16, 16)
                idx_v[r, sl] = posq + NSEG * x_v[r, sl] + seg_v[r, sl]
            return carry

        lax.fori_loop(0, NG, make_idx, 0)

        def gather(j, b):
            pltpu.async_copy(table_hbm.at[idx_v.at[j]], bufs[b], sem_g[b])

        def drain_g(b):
            pltpu.make_async_copy(table_hbm.at[pl.ds(0, G)], bufs[b], sem_g[b]).wait()

        def store(j, b):
            off = pl.multiple_of(base + j * G, G)
            pltpu.async_copy(bufs[b], out_hbm.at[pl.ds(off, G)], sem_s[b])

        def drain_s(b):
            pltpu.make_async_copy(bufs[b], out_hbm.at[pl.ds(base, G)], sem_s[b]).wait()

        for j in range(LOOKAHEAD):
            gather(j, j % NBUF)

        def block(i, carry):
            j0 = i * NBUF
            for b in range(NBUF):
                j = j0 + b
                jn = j + LOOKAHEAD
                bn = (b + LOOKAHEAD) % NBUF

                @pl.when(jnp.logical_and(jn >= NBUF, jn < NG))
                def _():
                    drain_s(bn)

                @pl.when(jn < NG)
                def _():
                    gather(jn, bn)

                drain_g(b)
                store(j, b)
            return carry

        lax.fori_loop(0, NG // NBUF, block, 0)
        for b in range(NBUF):
            drain_s(b)

    return _sc_gather


def kernel(x, seg, tok_w, pos_w, seg_w, gamma, beta):
    table = _table_call(
        tok_w, seg_w, pos_w, gamma.reshape(1, DM), beta.reshape(1, DM)
    ).reshape(S * COMBO, DM)
    out = _sc_gather_call()(
        table,
        x.astype(jnp.int32).reshape(NW, NG, G),
        seg.astype(jnp.int32).reshape(NW, NG, G),
    )
    return out.reshape(B, S, DM)

# --- scband reference (transcript-rebuilt; emitter-appended) ---
"""Pipeline reference for scband-embedding-47742856462814 (READ-ONLY COPY).

The authoritative reference and input builder live on the scoring server;
editing this copy changes nothing except your own understanding.
"""

import jax, jax.numpy as jnp
import numpy as np

VOCAB = 26
MAXLEN = 70
NSEG = 15
DMODEL = 512
B, S = 4096, 64

def setup_inputs(seed: int = 0) -> dict:
    key = jax.random.key(seed)
    k1, k2, k3, k4, k5 = jax.random.split(key, 5)
    x = jax.random.randint(k1, (B, S), 0, VOCAB)
    seg = jax.random.randint(k2, (B, S), 0, NSEG)
    tok_w = jax.random.normal(k3, (VOCAB, DMODEL), dtype=jnp.float32)
    pos_w = jax.random.normal(k4, (MAXLEN, DMODEL), dtype=jnp.float32)
    seg_w = jax.random.normal(k5, (NSEG, DMODEL), dtype=jnp.float32)
    gamma = jnp.ones((DMODEL,), dtype=jnp.float32)
    beta = jnp.zeros((DMODEL,), dtype=jnp.float32)
    return {"x": x, "seg": seg, "tok_w": tok_w, "pos_w": pos_w, "seg_w": seg_w, "gamma": gamma, "beta": beta}

def reference(x, seg, tok_w, pos_w, seg_w, gamma, beta):
    seq_len = x.shape[1]
    pos = jnp.arange(seq_len)
    emb = jnp.take(tok_w, x, axis=0) + jnp.take(pos_w, pos, axis=0)[None, :, :] + jnp.take(seg_w, seg, axis=0)
    mean = jnp.mean(emb, axis=-1, keepdims=True)
    var = jnp.mean((emb - mean) ** 2, axis=-1, keepdims=True)
    normed = (emb - mean) / jnp.sqrt(var + 1e-5)
    return normed * gamma + beta

if __name__ == "__main__":
    import jax
    _d = setup_inputs()
    print(jax.jit(kernel)(*tuple(_d.values())))

</pallas_src>

<mosaic_0001>
#map = affine_map<(d0, d1) -> (0, 0)>
#map1 = affine_map<(d0, d1) -> (0, 0, 0)>
module attributes {stable_mosaic.version = 14 : i64} {
  func.func @_sc_gather(%arg0: i32, %arg1: i32, %arg2: memref<25600x512xf32, #tpu.memory_space<hbm>>, %arg3: memref<32x128x64xi32, #tpu.memory_space<hbm>>, %arg4: memref<32x128x64xi32, #tpu.memory_space<hbm>>, %arg5: memref<262144x512xf32, #tpu.memory_space<hbm>>, %arg6: memref<128x64xi32, #tpu.memory_space<vmem>>, %arg7: memref<128x64xi32, #tpu.memory_space<vmem>>, %arg8: memref<128x64xi32, #tpu.memory_space<vmem>>, %arg9: memref<64x512xf32, #tpu.memory_space<vmem>>, %arg10: memref<64x512xf32, #tpu.memory_space<vmem>>, %arg11: memref<!tpu.dma_semaphore, #tpu.memory_space<semaphore_mem>>, %arg12: memref<!tpu.dma_semaphore, #tpu.memory_space<semaphore_mem>>, %arg13: memref<!tpu.dma_semaphore, #tpu.memory_space<semaphore_mem>>, %arg14: memref<!tpu.dma_semaphore, #tpu.memory_space<semaphore_mem>>) attributes {dimension_semantics = [#tpu.dimension_semantics<core_parallel>, #tpu.dimension_semantics<subcore_parallel>], iteration_bounds = array<i64: 2, 16>, scalar_prefetch = 0 : i64, scratch_operands = 9 : i64, tpu.core_type = #tpu.core_type<sc_vector_subcore>, window_params = [{transform_indices = #map}, {transform_indices = #map1}, {transform_indices = #map1}, {transform_indices = #map}]} {
    %mul3A = arith.constant 2 : i32
    %mul3A_0 = arith.muli %arg1, %mul3A : i32
    %add3A = arith.addi %mul3A_0, %arg0 : i32
    "tpu.region"() ({
      %run_scoped3A = tpu.sem_alloc : memref<!tpu.dma_semaphore, #tpu.memory_space<semaphore_mem>>
      %dma_start3A_27 = arith.constant 0 : i32
      %dma_start3A_28 = arith.constant 0 : i32
      %dma_start3A_29 = tpu.memref_slice %arg3[%add3A, %dma_start3A_27, %dma_start3A_28] : memref<32x128x64xi32, #tpu.memory_space<hbm>> -> memref<1x128x64xi32, #tpu.memory_space<hbm>>
      %dma_start3A_30 = tpu.memref_squeeze %dma_start3A_29 : memref<1x128x64xi32, #tpu.memory_space<hbm>> -> memref<128x64xi32, #tpu.memory_space<hbm>>
      %dma_start3A_31 = arith.constant 0 : i32
      %dma_start3A_32 = arith.constant 0 : i32
      %dma_start3A_33 = tpu.memref_slice %arg3[%add3A, %dma_start3A_31, %dma_start3A_32] : memref<32x128x64xi32, #tpu.memory_space<hbm>> -> memref<1x128x64xi32, #tpu.memory_space<hbm>>
      %dma_start3A_34 = tpu.memref_squeeze %dma_start3A_33 : memref<1x128x64xi32, #tpu.memory_space<hbm>> -> memref<128x64xi32, #tpu.memory_space<hbm>>
      tpu.enqueue_dma source(%dma_start3A_34 : memref<128x64xi32, #tpu.memory_space<hbm>>) target(%arg7 : memref<128x64xi32, #tpu.memory_space<vmem>>) target_semaphore(%run_scoped3A : memref<!tpu.dma_semaphore, #tpu.memory_space<semaphore_mem>>)
      %dma_wait3A_35 = arith.constant 0 : i32
      %dma_wait3A_36 = arith.constant 0 : i32
      %dma_wait3A_37 = tpu.memref_slice %arg3[%add3A, %dma_wait3A_35, %dma_wait3A_36] : memref<32x128x64xi32, #tpu.memory_space<hbm>> -> memref<1x128x64xi32, #tpu.memory_space<hbm>>
      %dma_wait3A_38 = tpu.memref_squeeze %dma_wait3A_37 : memref<1x128x64xi32, #tpu.memory_space<hbm>> -> memref<128x64xi32, #tpu.memory_space<hbm>>
      %dma_wait3A_39 = arith.constant 0 : i32
      %dma_wait3A_40 = arith.constant 0 : i32
      %dma_wait3A_41 = tpu.memref_slice %arg3[%add3A, %dma_wait3A_39, %dma_wait3A_40] : memref<32x128x64xi32, #tpu.memory_space<hbm>> -> memref<1x128x64xi32, #tpu.memory_space<hbm>>
      %dma_wait3A_42 = tpu.memref_squeeze %dma_wait3A_41 : memref<1x128x64xi32, #tpu.memory_space<hbm>> -> memref<128x64xi32, #tpu.memory_space<hbm>>
      tpu.wait_dma2 semaphore(%run_scoped3A : memref<!tpu.dma_semaphore, #tpu.memory_space<semaphore_mem>>) src(%dma_wait3A_42 : memref<128x64xi32, #tpu.memory_space<hbm>>) dst(%arg7 : memref<128x64xi32, #tpu.memory_space<vmem>>)
      tpu.yield
    }) : () -> ()
    "tpu.region"() ({
      %run_scoped3A = tpu.sem_alloc : memref<!tpu.dma_semaphore, #tpu.memory_space<semaphore_mem>>
      %dma_start3A_27 = arith.constant 0 : i32
      %dma_start3A_28 = arith.constant 0 : i32
      %dma_start3A_29 = tpu.memref_slice %arg4[%add3A, %dma_start3A_27, %dma_start3A_28] : memref<32x128x64xi32, #tpu.memory_space<hbm>> -> memref<1x128x64xi32, #tpu.memory_space<hbm>>
      %dma_start3A_30 = tpu.memref_squeeze %dma_start3A_29 : memref<1x128x64xi32, #tpu.memory_space<hbm>> -> memref<128x64xi32, #tpu.memory_space<hbm>>
      %dma_start3A_31 = arith.constant 0 : i32
      %dma_start3A_32 = arith.constant 0 : i32
      %dma_start3A_33 = tpu.memref_slice %arg4[%add3A, %dma_start3A_31, %dma_start3A_32] : memref<32x128x64xi32, #tpu.memory_space<hbm>> -> memref<1x128x64xi32, #tpu.memory_space<hbm>>
      %dma_start3A_34 = tpu.memref_squeeze %dma_start3A_33 : memref<1x128x64xi32, #tpu.memory_space<hbm>> -> memref<128x64xi32, #tpu.memory_space<hbm>>
      tpu.enqueue_dma source(%dma_start3A_34 : memref<128x64xi32, #tpu.memory_space<hbm>>) target(%arg8 : memref<128x64xi32, #tpu.memory_space<vmem>>) target_semaphore(%run_scoped3A : memref<!tpu.dma_semaphore, #tpu.memory_space<semaphore_mem>>)
      %dma_wait3A_35 = arith.constant 0 : i32
      %dma_wait3A_36 = arith.constant 0 : i32
      %dma_wait3A_37 = tpu.memref_slice %arg4[%add3A, %dma_wait3A_35, %dma_wait3A_36] : memref<32x128x64xi32, #tpu.memory_space<hbm>> -> memref<1x128x64xi32, #tpu.memory_space<hbm>>
      %dma_wait3A_38 = tpu.memref_squeeze %dma_wait3A_37 : memref<1x128x64xi32, #tpu.memory_space<hbm>> -> memref<128x64xi32, #tpu.memory_space<hbm>>
      %dma_wait3A_39 = arith.constant 0 : i32
      %dma_wait3A_40 = arith.constant 0 : i32
      %dma_wait3A_41 = tpu.memref_slice %arg4[%add3A, %dma_wait3A_39, %dma_wait3A_40] : memref<32x128x64xi32, #tpu.memory_space<hbm>> -> memref<1x128x64xi32, #tpu.memory_space<hbm>>
      %dma_wait3A_42 = tpu.memref_squeeze %dma_wait3A_41 : memref<1x128x64xi32, #tpu.memory_space<hbm>> -> memref<128x64xi32, #tpu.memory_space<hbm>>
      tpu.wait_dma2 semaphore(%run_scoped3A : memref<!tpu.dma_semaphore, #tpu.memory_space<semaphore_mem>>) src(%dma_wait3A_42 : memref<128x64xi32, #tpu.memory_space<hbm>>) dst(%arg8 : memref<128x64xi32, #tpu.memory_space<vmem>>)
      tpu.yield
    }) : () -> ()
    %mul3A_1 = arith.constant 8192 : i32
    %mul3A_2 = arith.muli %add3A, %mul3A_1 : i32
    %scan3A = arith.constant 0 : i32
    %scan3A_3 = arith.constant 0 : i32
    %scan3A_4 = arith.constant 128 : i32
    %scan3A_5 = arith.addi %scan3A_3, %scan3A_4 : i32
    %scan3A_6 = arith.constant 1 : i32
    scf.for %scan3A_27 = %scan3A_3 to %scan3A_5 step %scan3A_6  : i32 {
      %iota3A = tpu.iota {dimensions = array<i32: 0>} : vector<16xi32>
      %add3A_28 = arith.constant 0 : i32
      %add3A_29 = vector.broadcast %add3A_28 : i32 to vector<16xi32>
      %add3A_30 = arith.addi %iota3A, %add3A_29 : vector<16xi32>
      %mul3A_31 = arith.constant 400 : i32
      %mul3A_32 = vector.broadcast %mul3A_31 : i32 to vector<16xi32>
      %mul3A_33 = arith.muli %add3A_30, %mul3A_32 : vector<16xi32>
      %get3A = arith.index_cast %scan3A_27 : i32 to index
      %get3A_34 = arith.constant 0 : index
      %get3A_35 = tpu.vector_load %arg7[%get3A, %get3A_34] {strides = array<i32>} : memref<128x64xi32, #tpu.memory_space<vmem>>, vector<1x16xi32>,
      %get3A_36 = vector.shape_cast %get3A_35 : vector<1x16xi32> to vector<16xi32>
      %mul3A_37 = arith.constant 15 : i32
      %mul3A_38 = vector.broadcast %mul3A_37 : i32 to vector<16xi32>
      %mul3A_39 = arith.muli %mul3A_38, %get3A_36 : vector<16xi32>
      %add3A_40 = arith.addi %mul3A_33, %mul3A_39 : vector<16xi32>
      %get3A_41 = arith.index_cast %scan3A_27 : i32 to index
      %get3A_42 = arith.constant 0 : index
      %get3A_43 = tpu.vector_load %arg8[%get3A_41, %get3A_42] {strides = array<i32>} : memref<128x64xi32, #tpu.memory_space<vmem>>, vector<1x16xi32>,
      %get3A_44 = vector.shape_cast %get3A_43 : vector<1x16xi32> to vector<16xi32>
      %add3A_45 = arith.addi %add3A_40, %get3A_44 : vector<16xi32>
      %swap3A = arith.index_cast %scan3A_27 : i32 to index
      %swap3A_46 = arith.constant 0 : index
      %swap3A_47 = tpu.vector_load %arg6[%swap3A, %swap3A_46] {strides = array<i32>} : memref<128x64xi32, #tpu.memory_space<vmem>>, vector<1x16xi32>,
      %swap3A_48 = vector.shape_cast %swap3A_47 : vector<1x16xi32> to vector<16xi32>
      %swap3A_49 = vector.shape_cast %add3A_45 : vector<16xi32> to vector<1x16xi32>
      tpu.vector_store %arg6[%swap3A, %swap3A_46], %swap3A_49 {strides = array<i32>} : memref<128x64xi32, #tpu.memory_space<vmem>>, vector<1x16xi32>,
      %iota3A_50 = tpu.iota {dimensions = array<i32: 0>} : vector<16xi32>
      %add3A_51 = arith.constant 16 : i32
      %add3A_52 = vector.broadcast %add3A_51 : i32 to vector<16xi32>
      %add3A_53 = arith.addi %iota3A_50, %add3A_52 : vector<16xi32>
      %mul3A_54 = arith.constant 400 : i32
      %mul3A_55 = vector.broadcast %mul3A_54 : i32 to vector<16xi32>
      %mul3A_56 = arith.muli %add3A_53, %mul3A_55 : vector<16xi32>
      %get3A_57 = arith.index_cast %scan3A_27 : i32 to index
      %get3A_58 = arith.constant 16 : index
      %get3A_59 = tpu.vector_load %arg7[%get3A_57, %get3A_58] {strides = array<i32>} : memref<128x64xi32, #tpu.memory_space<vmem>>, vector<1x16xi32>,
      %get3A_60 = vector.shape_cast %get3A_59 : vector<1x16xi32> to vector<16xi32>
      %mul3A_61 = arith.constant 15 : i32
      %mul3A_62 = vector.broadcast %mul3A_61 : i32 to vector<16xi32>
      %mul3A_63 = arith.muli %mul3A_62, %get3A_60 : vector<16xi32>
      %add3A_64 = arith.addi %mul3A_56, %mul3A_63 : vector<16xi32>
      %get3A_65 = arith.index_cast %scan3A_27 : i32 to index
      %get3A_66 = arith.constant 16 : index
      %get3A_67 = tpu.vector_load %arg8[%get3A_65, %get3A_66] {strides = array<i32>} : memref<128x64xi32, #tpu.memory_space<vmem>>, vector<1x16xi32>,
      %get3A_68 = vector.shape_cast %get3A_67 : vector<1x16xi32> to vector<16xi32>
      %add3A_69 = arith.addi %add3A_64, %get3A_68 : vector<16xi32>
      %swap3A_70 = arith.index_cast %scan3A_27 : i32 to index
      %swap3A_71 = arith.constant 16 : index
      %swap3A_72 = tpu.vector_load %arg6[%swap3A_70, %swap3A_71] {strides = array<i32>} : memref<128x64xi32, #tpu.memory_space<vmem>>, vector<1x16xi32>,
      %swap3A_73 = vector.shape_cast %swap3A_72 : vector<1x16xi32> to vector<16xi32>
      %swap3A_74 = vector.shape_cast %add3A_69 : vector<16xi32> to vector<1x16xi32>
      tpu.vector_store %arg6[%swap3A_70, %swap3A_71], %swap3A_74 {strides = array<i32>} : memref<128x64xi32, #tpu.memory_space<vmem>>, vector<1x16xi32>,
      %iota3A_75 = tpu.iota {dimensions = array<i32: 0>} : vector<16xi32>
      %add3A_76 = arith.constant 32 : i32
      %add3A_77 = vector.broadcast %add3A_76 : i32 to vector<16xi32>
      %add3A_78 = arith.addi %iota3A_75, %add3A_77 : vector<16xi32>
      %mul3A_79 = arith.constant 400 : i32
      %mul3A_80 = vector.broadcast %mul3A_79 : i32 to vector<16xi32>
      %mul3A_81 = arith.muli %add3A_78, %mul3A_80 : vector<16xi32>
      %get3A_82 = arith.index_cast %scan3A_27 : i32 to index
      %get3A_83 = arith.constant 32 : index
      %get3A_84 = tpu.vector_load %arg7[%get3A_82, %get3A_83] {strides = array<i32>} : memref<128x64xi32, #tpu.memory_space<vmem>>, vector<1x16xi32>,
      %get3A_85 = vector.shape_cast %get3A_84 : vector<1x16xi32> to vector<16xi32>
      %mul3A_86 = arith.constant 15 : i32
      %mul3A_87 = vector.broadcast %mul3A_86 : i32 to vector<16xi32>
      %mul3A_88 = arith.muli %mul3A_87, %get3A_85 : vector<16xi32>
      %add3A_89 = arith.addi %mul3A_81, %mul3A_88 : vector<16xi32>
      %get3A_90 = arith.index_cast %scan3A_27 : i32 to index
      %get3A_91 = arith.constant 32 : index
      %get3A_92 = tpu.vector_load %arg8[%get3A_90, %get3A_91] {strides = array<i32>} : memref<128x64xi32, #tpu.memory_space<vmem>>, vector<1x16xi32>,
      %get3A_93 = vector.shape_cast %get3A_92 : vector<1x16xi32> to vector<16xi32>
      %add3A_94 = arith.addi %add3A_89, %get3A_93 : vector<16xi32>
      %swap3A_95 = arith.index_cast %scan3A_27 : i32 to index
      %swap3A_96 = arith.constant 32 : index
      %swap3A_97 = tpu.vector_load %arg6[%swap3A_95, %swap3A_96] {strides = array<i32>} : memref<128x64xi32, #tpu.memory_space<vmem>>, vector<1x16xi32>,
      %swap3A_98 = vector.shape_cast %swap3A_97 : vector<1x16xi32> to vector<16xi32>
      %swap3A_99 = vector.shape_cast %add3A_94 : vector<16xi32> to vector<1x16xi32>
      tpu.vector_store %arg6[%swap3A_95, %swap3A_96], %swap3A_99 {strides = array<i32>} : memref<128x64xi32, #tpu.memory_space<vmem>>, vector<1x16xi32>,
      %iota3A_100 = tpu.iota {dimensions = array<i32: 0>} : vector<16xi32>
      %add3A_101 = arith.constant 48 : i32
      %add3A_102 = vector.broadcast %add3A_101 : i32 to vector<16xi32>
      %add3A_103 = arith.addi %iota3A_100, %add3A_102 : vector<16xi32>
      %mul3A_104 = arith.constant 400 : i32
      %mul3A_105 = vector.broadcast %mul3A_104 : i32 to vector<16xi32>
      %mul3A_106 = arith.muli %add3A_103, %mul3A_105 : vector<16xi32>
      %get3A_107 = arith.index_cast %scan3A_27 : i32 to index
      %get3A_108 = arith.constant 48 : index
      %get3A_109 = tpu.vector_load %arg7[%get3A_107, %get3A_108] {strides = array<i32>} : memref<128x64xi32, #tpu.memory_space<vmem>>, vector<1x16xi32>,
      %get3A_110 = vector.shape_cast %get3A_109 : vector<1x16xi32> to vector<16xi32>
      %mul3A_111 = arith.constant 15 : i32
      %mul3A_112 = vector.broadcast %mul3A_111 : i32 to vector<16xi32>
      %mul3A_113 = arith.muli %mul3A_112, %get3A_110 : vector<16xi32>
      %add3A_114 = arith.addi %mul3A_106, %mul3A_113 : vector<16xi32>
      %get3A_115 = arith.index_cast %scan3A_27 : i32 to index
      %get3A_116 = arith.constant 48 : index
      %get3A_117 = tpu.vector_load %arg8[%get3A_115, %get3A_116] {strides = array<i32>} : memref<128x64xi32, #tpu.memory_space<vmem>>, vector<1x16xi32>,
      %get3A_118 = vector.shape_cast %get3A_117 : vector<1x16xi32> to vector<16xi32>
      %add3A_119 = arith.addi %add3A_114, %get3A_118 : vector<16xi32>
      %swap3A_120 = arith.index_cast %scan3A_27 : i32 to index
      %swap3A_121 = arith.constant 48 : index
      %swap3A_122 = tpu.vector_load %arg6[%swap3A_120, %swap3A_121] {strides = array<i32>} : memref<128x64xi32, #tpu.memory_space<vmem>>, vector<1x16xi32>,
      %swap3A_123 = vector.shape_cast %swap3A_122 : vector<1x16xi32> to vector<16xi32>
      %swap3A_124 = vector.shape_cast %add3A_119 : vector<16xi32> to vector<1x16xi32>
      tpu.vector_store %arg6[%swap3A_120, %swap3A_121], %swap3A_124 {strides = array<i32>} : memref<128x64xi32, #tpu.memory_space<vmem>>, vector<1x16xi32>,
    }
    %scan3A_7 = arith.constant 128 : i32
    %dma_start3A = arith.constant 0 : i32
    %dma_start3A_8 = arith.constant 0 : i32
    %dma_start3A_9 = tpu.memref_slice %arg6[%dma_start3A, %dma_start3A_8] : memref<128x64xi32, #tpu.memory_space<vmem>> -> memref<1x64xi32, #tpu.memory_space<vmem>>
    %dma_start3A_10 = tpu.memref_squeeze %dma_start3A_9 : memref<1x64xi32, #tpu.memory_space<vmem>> -> memref<64xi32, #tpu.memory_space<vmem>>
    %dma_start3A_11 = arith.constant 0 : i32
    %dma_start3A_12 = arith.constant 0 : i32
    %dma_start3A_13 = tpu.memref_slice %arg2[%dma_start3A_11, %dma_start3A_12] : memref<25600x512xf32, #tpu.memory_space<hbm>> -> memref<25600x512xf32, #tpu.memory_space<hbm>>
    tpu.enqueue_indirect_dma source(%dma_start3A_13 : memref<25600x512xf32, #tpu.memory_space<hbm>>) target(%arg9 : memref<64x512xf32, #tpu.memory_space<vmem>>) offsets(%dma_start3A_10 : memref<64xi32, #tpu.memory_space<vmem>>) semaphore(%arg11 : memref<!tpu.dma_semaphore, #tpu.memory_space<semaphore_mem>>)
    %scan3A_14 = arith.constant 0 : i32
    %scan3A_15 = arith.constant 0 : i32
    %scan3A_16 = arith.constant 64 : i32
    %scan3A_17 = arith.addi %scan3A_15, %scan3A_16 : i32
    %scan3A_18 = arith.constant 1 : i32
    scf.for %scan3A_27 = %scan3A_15 to %scan3A_17 step %scan3A_18  : i32 {
      %mul3A_28 = arith.constant 2 : i32
      %mul3A_29 = arith.muli %scan3A_27, %mul3A_28 : i32
      %add3A_30 = arith.constant 0 : i32
      %add3A_31 = arith.addi %mul3A_29, %add3A_30 : i32
      %add3A_32 = arith.constant 1 : i32
      %add3A_33 = arith.addi %add3A_31, %add3A_32 : i32
      %ge3A = arith.constant 2 : i32
      %ge3A_34 = arith.cmpi sge, %add3A_33, %ge3A : i32
      %lt3A = arith.constant 128 : i32
      %lt3A_35 = arith.cmpi slt, %add3A_33, %lt3A : i32
      %and3A = arith.andi %ge3A_34, %lt3A_35 : i1
      %convert_element_type3A = arith.extui %and3A : i1 to i32
      %cond3A = arith.constant 0 : i32
      %cond3A_36 = arith.cmpi ne, %convert_element_type3A, %cond3A : i32
      scf.if %cond3A_36 {
        %dma_wait3A_86 = arith.constant 0 : i32
        %dma_wait3A_87 = tpu.memref_slice %arg5[%mul3A_2, %dma_wait3A_86] : memref<262144x512xf32, #tpu.memory_space<hbm>> -> memref<64x512xf32, #tpu.memory_space<hbm>>
        %dma_wait3A_88 = arith.constant 0 : i32
        %dma_wait3A_89 = tpu.memref_slice %arg5[%mul3A_2, %dma_wait3A_88] : memref<262144x512xf32, #tpu.memory_space<hbm>> -> memref<64x512xf32, #tpu.memory_space<hbm>>
        tpu.wait_dma2 semaphore(%arg14 : memref<!tpu.dma_semaphore, #tpu.memory_space<semaphore_mem>>) src(%arg10 : memref<64x512xf32, #tpu.memory_space<vmem>>) dst(%dma_wait3A_89 : memref<64x512xf32, #tpu.memory_space<hbm>>)
      } else {
      }
      %lt3A_37 = arith.constant 128 : i32
      %lt3A_38 = arith.cmpi slt, %add3A_33, %lt3A_37 : i32
      %convert_element_type3A_39 = arith.extui %lt3A_38 : i1 to i32
      %cond3A_40 = arith.constant 0 : i32
      %cond3A_41 = arith.cmpi ne, %convert_element_type3A_39, %cond3A_40 : i32
      scf.if %cond3A_41 {
        %dma_start3A_86 = arith.constant 0 : i32
        %dma_start3A_87 = tpu.memref_slice %arg6[%add3A_33, %dma_start3A_86] : memref<128x64xi32, #tpu.memory_space<vmem>> -> memref<1x64xi32, #tpu.memory_space<vmem>>
        %dma_start3A_88 = tpu.memref_squeeze %dma_start3A_87 : memref<1x64xi32, #tpu.memory_space<vmem>> -> memref<64xi32, #tpu.memory_space<vmem>>
        %dma_start3A_89 = arith.constant 0 : i32
        %dma_start3A_90 = arith.constant 0 : i32
        %dma_start3A_91 = tpu.memref_slice %arg2[%dma_start3A_89, %dma_start3A_90] : memref<25600x512xf32, #tpu.memory_space<hbm>> -> memref<25600x512xf32, #tpu.memory_space<hbm>>
        tpu.enqueue_indirect_dma source(%dma_start3A_91 : memref<25600x512xf32, #tpu.memory_space<hbm>>) target(%arg10 : memref<64x512xf32, #tpu.memory_space<vmem>>) offsets(%dma_start3A_88 : memref<64xi32, #tpu.memory_space<vmem>>) semaphore(%arg12 : memref<!tpu.dma_semaphore, #tpu.memory_space<semaphore_mem>>)
      } else {
      }
      %dma_wait3A_42 = arith.constant 0 : i32
      %dma_wait3A_43 = arith.constant 0 : i32
      %dma_wait3A_44 = tpu.memref_slice %arg2[%dma_wait3A_42, %dma_wait3A_43] : memref<25600x512xf32, #tpu.memory_space<hbm>> -> memref<64x512xf32, #tpu.memory_space<hbm>>
      %dma_wait3A_45 = arith.constant 0 : i32
      %dma_wait3A_46 = arith.constant 0 : i32
      %dma_wait3A_47 = tpu.memref_slice %arg2[%dma_wait3A_45, %dma_wait3A_46] : memref<25600x512xf32, #tpu.memory_space<hbm>> -> memref<64x512xf32, #tpu.memory_space<hbm>>
      tpu.wait_dma2 semaphore(%arg11 : memref<!tpu.dma_semaphore, #tpu.memory_space<semaphore_mem>>) src(%dma_wait3A_47 : memref<64x512xf32, #tpu.memory_space<hbm>>) dst(%arg9 : memref<64x512xf32, #tpu.memory_space<vmem>>)
      %mul3A_48 = arith.constant 64 : i32
      %mul3A_49 = arith.muli %add3A_31, %mul3A_48 : i32
      %add3A_50 = arith.addi %mul3A_2, %mul3A_49 : i32
      %multiple_of3A = tpu.assume_multiple %add3A_50, 64 : i32
      %dma_start3A_51 = arith.constant 0 : i32
      %dma_start3A_52 = tpu.memref_slice %arg5[%multiple_of3A, %dma_start3A_51] : memref<262144x512xf32, #tpu.memory_space<hbm>> -> memref<64x512xf32, #tpu.memory_space<hbm>>
      %dma_start3A_53 = arith.constant 0 : i32
      %dma_start3A_54 = tpu.memref_slice %arg5[%multiple_of3A, %dma_start3A_53] : memref<262144x512xf32, #tpu.memory_space<hbm>> -> memref<64x512xf32, #tpu.memory_space<hbm>>
      tpu.enqueue_dma source(%arg9 : memref<64x512xf32, #tpu.memory_space<vmem>>) target(%dma_start3A_54 : memref<64x512xf32, #tpu.memory_space<hbm>>) target_semaphore(%arg13 : memref<!tpu.dma_semaphore, #tpu.memory_space<semaphore_mem>>)
      %add3A_55 = arith.constant 1 : i32
      %add3A_56 = arith.addi %mul3A_29, %add3A_55 : i32
      %add3A_57 = arith.constant 1 : i32
      %add3A_58 = arith.addi %add3A_56, %add3A_57 : i32
      %ge3A_59 = arith.constant 2 : i32
      %ge3A_60 = arith.cmpi sge, %add3A_58, %ge3A_59 : i32
      %lt3A_61 = arith.constant 128 : i32
      %lt3A_62 = arith.cmpi slt, %add3A_58, %lt3A_61 : i32
      %and3A_63 = arith.andi %ge3A_60, %lt3A_62 : i1
      %convert_element_type3A_64 = arith.extui %and3A_63 : i1 to i32
      %cond3A_65 = arith.constant 0 : i32
      %cond3A_66 = arith.cmpi ne, %convert_element_type3A_64, %cond3A_65 : i32
      scf.if %cond3A_66 {
        %dma_wait3A_86 = arith.constant 0 : i32
        %dma_wait3A_87 = tpu.memref_slice %arg5[%mul3A_2, %dma_wait3A_86] : memref<262144x512xf32, #tpu.memory_space<hbm>> -> memref<64x512xf32, #tpu.memory_space<hbm>>
        %dma_wait3A_88 = arith.constant 0 : i32
        %dma_wait3A_89 = tpu.memref_slice %arg5[%mul3A_2, %dma_wait3A_88] : memref<262144x512xf32, #tpu.memory_space<hbm>> -> memref<64x512xf32, #tpu.memory_space<hbm>>
        tpu.wait_dma2 semaphore(%arg13 : memref<!tpu.dma_semaphore, #tpu.memory_space<semaphore_mem>>) src(%arg9 : memref<64x512xf32, #tpu.memory_space<vmem>>) dst(%dma_wait3A_89 : memref<64x512xf32, #tpu.memory_space<hbm>>)
      } else {
      }
      %lt3A_67 = arith.constant 128 : i32
      %lt3A_68 = arith.cmpi slt, %add3A_58, %lt3A_67 : i32
      %convert_element_type3A_69 = arith.extui %lt3A_68 : i1 to i32
      %cond3A_70 = arith.constant 0 : i32
      %cond3A_71 = arith.cmpi ne, %convert_element_type3A_69, %cond3A_70 : i32
      scf.if %cond3A_71 {
        %dma_start3A_86 = arith.constant 0 : i32
        %dma_start3A_87 = tpu.memref_slice %arg6[%add3A_58, %dma_start3A_86] : memref<128x64xi32, #tpu.memory_space<vmem>> -> memref<1x64xi32, #tpu.memory_space<vmem>>
        %dma_start3A_88 = tpu.memref_squeeze %dma_start3A_87 : memref<1x64xi32, #tpu.memory_space<vmem>> -> memref<64xi32, #tpu.memory_space<vmem>>
        %dma_start3A_89 = arith.constant 0 : i32
        %dma_start3A_90 = arith.constant 0 : i32
        %dma_start3A_91 = tpu.memref_slice %arg2[%dma_start3A_89, %dma_start3A_90] : memref<25600x512xf32, #tpu.memory_space<hbm>> -> memref<25600x512xf32, #tpu.memory_space<hbm>>
        tpu.enqueue_indirect_dma source(%dma_start3A_91 : memref<25600x512xf32, #tpu.memory_space<hbm>>) target(%arg9 : memref<64x512xf32, #tpu.memory_space<vmem>>) offsets(%dma_start3A_88 : memref<64xi32, #tpu.memory_space<vmem>>) semaphore(%arg11 : memref<!tpu.dma_semaphore, #tpu.memory_space<semaphore_mem>>)
      } else {
      }
      %dma_wait3A_72 = arith.constant 0 : i32
      %dma_wait3A_73 = arith.constant 0 : i32
      %dma_wait3A_74 = tpu.memref_slice %arg2[%dma_wait3A_72, %dma_wait3A_73] : memref<25600x512xf32, #tpu.memory_space<hbm>> -> memref<64x512xf32, #tpu.memory_space<hbm>>
      %dma_wait3A_75 = arith.constant 0 : i32
      %dma_wait3A_76 = arith.constant 0 : i32
      %dma_wait3A_77 = tpu.memref_slice %arg2[%dma_wait3A_75, %dma_wait3A_76] : memref<25600x512xf32, #tpu.memory_space<hbm>> -> memref<64x512xf32, #tpu.memory_space<hbm>>
      tpu.wait_dma2 semaphore(%arg12 : memref<!tpu.dma_semaphore, #tpu.memory_space<semaphore_mem>>) src(%dma_wait3A_77 : memref<64x512xf32, #tpu.memory_space<hbm>>) dst(%arg10 : memref<64x512xf32, #tpu.memory_space<vmem>>)
      %mul3A_78 = arith.constant 64 : i32
      %mul3A_79 = arith.muli %add3A_56, %mul3A_78 : i32
      %add3A_80 = arith.addi %mul3A_2, %mul3A_79 : i32
      %multiple_of3A_81 = tpu.assume_multiple %add3A_80, 64 : i32
      %dma_start3A_82 = arith.constant 0 : i32
      %dma_start3A_83 = tpu.memref_slice %arg5[%multiple_of3A_81, %dma_start3A_82] : memref<262144x512xf32, #tpu.memory_space<hbm>> -> memref<64x512xf32, #tpu.memory_space<hbm>>
      %dma_start3A_84 = arith.constant 0 : i32
      %dma_start3A_85 = tpu.memref_slice %arg5[%multiple_of3A_81, %dma_start3A_84] : memref<262144x512xf32, #tpu.memory_space<hbm>> -> memref<64x512xf32, #tpu.memory_space<hbm>>
      tpu.enqueue_dma source(%arg10 : memref<64x512xf32, #tpu.memory_space<vmem>>) target(%dma_start3A_85 : memref<64x512xf32, #tpu.memory_space<hbm>>) target_semaphore(%arg14 : memref<!tpu.dma_semaphore, #tpu.memory_space<semaphore_mem>>)
    }
    %scan3A_19 = arith.constant 64 : i32
    %dma_wait3A = arith.constant 0 : i32
    %dma_wait3A_20 = tpu.memref_slice %arg5[%mul3A_2, %dma_wait3A] : memref<262144x512xf32, #tpu.memory_space<hbm>> -> memref<64x512xf32, #tpu.memory_space<hbm>>
    %dma_wait3A_21 = arith.constant 0 : i32
    %dma_wait3A_22 = tpu.memref_slice %arg5[%mul3A_2, %dma_wait3A_21] : memref<262144x512xf32, #tpu.memory_space<hbm>> -> memref<64x512xf32, #tpu.memory_space<hbm>>
    tpu.wait_dma2 semaphore(%arg13 : memref<!tpu.dma_semaphore, #tpu.memory_space<semaphore_mem>>) src(%arg9 : memref<64x512xf32, #tpu.memory_space<vmem>>) dst(%dma_wait3A_22 : memref<64x512xf32, #tpu.memory_space<hbm>>)
    %dma_wait3A_23 = arith.constant 0 : i32
    %dma_wait3A_24 = tpu.memref_slice %arg5[%mul3A_2, %dma_wait3A_23] : memref<262144x512xf32, #tpu.memory_space<hbm>> -> memref<64x512xf32, #tpu.memory_space<hbm>>
    %dma_wait3A_25 = arith.constant 0 : i32
    %dma_wait3A_26 = tpu.memref_slice %arg5[%mul3A_2, %dma_wait3A_25] : memref<262144x512xf32, #tpu.memory_space<hbm>> -> memref<64x512xf32, #tpu.memory_space<hbm>>
    tpu.wait_dma2 semaphore(%arg14 : memref<!tpu.dma_semaphore, #tpu.memory_space<semaphore_mem>>) src(%arg10 : memref<64x512xf32, #tpu.memory_space<vmem>>) dst(%dma_wait3A_26 : memref<64x512xf32, #tpu.memory_space<hbm>>)
    return
  }
}

module attributes {stable_mosaic.version = 14 : i64} {
  func.func @_table_body(%arg0: i32, %arg1: memref<26x512xf32, #tpu.memory_space<vmem>>, %arg2: memref<15x512xf32, #tpu.memory_space<vmem>>, %arg3: memref<70x512xf32, #tpu.memory_space<vmem>>, %arg4: memref<1x512xf32, #tpu.memory_space<vmem>>, %arg5: memref<1x512xf32, #tpu.memory_space<vmem>>, %arg6: memref<8x400x512xf32, #tpu.memory_space<vmem>>, %arg7: memref<400x512xf32, #tpu.memory_space<vmem>>) attributes {dimension_semantics = [#tpu.dimension_semantics<arbitrary>], iteration_bounds = array<i64: 8>, scalar_prefetch = 0 : i64, scratch_operands = 1 : i64, tpu.core_type = #tpu.core_type<tc>, window_params = [{pipeline_mode = #tpu.pipeline_mode<synchronous>, transform_indices = @transform_0, window_bounds = array<i64: 26, 512>}, {pipeline_mode = #tpu.pipeline_mode<synchronous>, transform_indices = @transform_1, window_bounds = array<i64: 15, 512>}, {pipeline_mode = #tpu.pipeline_mode<synchronous>, transform_indices = @transform_2, window_bounds = array<i64: 70, 512>}, {pipeline_mode = #tpu.pipeline_mode<synchronous>, transform_indices = @transform_3, window_bounds = array<i64: 1, 512>}, {pipeline_mode = #tpu.pipeline_mode<synchronous>, transform_indices = @transform_4, window_bounds = array<i64: 1, 512>}, {transform_indices = @transform_5, window_bounds = array<i64: 8, 400, 512>}]} {
    %eq3A = arith.constant 0 : i32
    %eq3A_0 = arith.cmpi eq, %arg0, %eq3A : i32
    %convert_element_type3A = arith.extui %eq3A_0 : i1 to i32
    %cond3A = arith.constant 0 : i32
    %cond3A_1 = arith.cmpi ne, %convert_element_type3A, %cond3A : i32
    scf.if %cond3A_1 {
      %iota3A = tpu.iota {dimensions = array<i32: 0>} : vector<400x26xi32>
      %iota3A_46 = tpu.iota {dimensions = array<i32: 1>} : vector<400x26xi32>
      %jit3A = arith.constant 15 : i32
      %div3A_47 = vector.broadcast %jit3A : i32 to vector<400x26xi32>
      %div3A_48 = arith.divsi %iota3A, %div3A_47 : vector<400x26xi32>
      %sign3A = arith.constant 0 : i32
      %sign3A_49 = vector.broadcast %sign3A : i32 to vector<400x26xi32>
      %sign3A_50 = arith.cmpi sgt, %iota3A, %sign3A_49 : vector<400x26xi32>
      %sign3A_51 = arith.extui %sign3A_50 : vector<400x26xi1> to vector<400x26xi32>
      %sign3A_52 = arith.constant 0 : i32
      %sign3A_53 = vector.broadcast %sign3A_52 : i32 to vector<400x26xi32>
      %sign3A_54 = arith.cmpi slt, %iota3A, %sign3A_53 : vector<400x26xi32>
      %sign3A_55 = arith.extui %sign3A_54 : vector<400x26xi1> to vector<400x26xi32>
      %sign3A_56 = arith.subi %sign3A_51, %sign3A_55 : vector<400x26xi32>
      %sign3A_57 = arith.constant 0 : i32
      %sign3A_58 = arith.cmpi sgt, %jit3A, %sign3A_57 : i32
      %sign3A_59 = arith.extui %sign3A_58 : i1 to i32
      %sign3A_60 = arith.constant 0 : i32
      %sign3A_61 = arith.cmpi slt, %jit3A, %sign3A_60 : i32
      %sign3A_62 = arith.extui %sign3A_61 : i1 to i32
      %sign3A_63 = arith.subi %sign3A_59, %sign3A_62 : i32
      %ne3A = vector.broadcast %sign3A_63 : i32 to vector<400x26xi32>
      %ne3A_64 = arith.cmpi ne, %sign3A_56, %ne3A : vector<400x26xi32>
      %rem3A = vector.broadcast %jit3A : i32 to vector<400x26xi32>
      %rem3A_65 = arith.remsi %iota3A, %rem3A : vector<400x26xi32>
      %ne3A_66 = arith.constant 0 : i32
      %ne3A_67 = vector.broadcast %ne3A_66 : i32 to vector<400x26xi32>
      %ne3A_68 = arith.cmpi ne, %rem3A_65, %ne3A_67 : vector<400x26xi32>
      %and3A = arith.andi %ne3A_64, %ne3A_68 : vector<400x26xi1>
      %sub3A_69 = arith.constant 1 : i32
      %sub3A_70 = vector.broadcast %sub3A_69 : i32 to vector<400x26xi32>
      %sub3A_71 = arith.subi %div3A_48, %sub3A_70 : vector<400x26xi32>
      %select_n3A = arith.select %and3A, %sub3A_71, %div3A_48 : vector<400x26xi1>, vector<400x26xi32>
      %eq3A_72 = arith.cmpi eq, %select_n3A, %iota3A_46 : vector<400x26xi32>
      %convert_element_type3A_73 = arith.extui %eq3A_72 : vector<400x26xi1> to vector<400x26xi32>
      %convert_element_type3A_74 = arith.sitofp %convert_element_type3A_73 : vector<400x26xi32> to vector<400x26xf32>
      %iota3A_75 = tpu.iota {dimensions = array<i32: 0>} : vector<400x15xi32>
      %iota3A_76 = tpu.iota {dimensions = array<i32: 1>} : vector<400x15xi32>
      %jit3A_77 = arith.constant 15 : i32
      %eq3A_78 = arith.constant 0 : i32
      %eq3A_79 = arith.cmpi eq, %jit3A_77, %eq3A_78 : i32
      %jit3A_80 = arith.constant 1 : i32
      %select_n3A_81 = arith.select %eq3A_79, %jit3A_80, %jit3A_77 : i32
      %rem3A_82 = vector.broadcast %select_n3A_81 : i32 to vector<400x15xi32>
      %rem3A_83 = arith.remsi %iota3A_75, %rem3A_82 : vector<400x15xi32>
      %ne3A_84 = arith.constant 0 : i32
      %ne3A_85 = vector.broadcast %ne3A_84 : i32 to vector<400x15xi32>
      %ne3A_86 = arith.cmpi ne, %rem3A_83, %ne3A_85 : vector<400x15xi32>
      %lt3A = arith.constant 0 : i32
      %lt3A_87 = vector.broadcast %lt3A : i32 to vector<400x15xi32>
      %lt3A_88 = arith.cmpi slt, %rem3A_83, %lt3A_87 : vector<400x15xi32>
      %lt3A_89 = arith.constant 0 : i32
      %lt3A_90 = arith.cmpi slt, %select_n3A_81, %lt3A_89 : i32
      %ne3A_91 = vector.broadcast %lt3A_90 : i1 to vector<400x15xi1>
      %ne3A_92 = vector.broadcast %ne3A_91 : vector<400x15xi1> to vector<400x15xi1>
      %ne3A_93 = arith.xori %lt3A_88, %ne3A_92 : vector<400x15xi1>
      %and3A_94 = arith.andi %ne3A_93, %ne3A_86 : vector<400x15xi1>
      %add3A_95 = vector.broadcast %select_n3A_81 : i32 to vector<400x15xi32>
      %add3A_96 = arith.addi %rem3A_83, %add3A_95 : vector<400x15xi32>
      %select_n3A_97 = arith.select %and3A_94, %add3A_96, %rem3A_83 : vector<400x15xi1>, vector<400x15xi32>
      %eq3A_98 = arith.cmpi eq, %select_n3A_97, %iota3A_76 : vector<400x15xi32>
      %convert_element_type3A_99 = arith.extui %eq3A_98 : vector<400x15xi1> to vector<400x15xi32>
      %convert_element_type3A_100 = arith.sitofp %convert_element_type3A_99 : vector<400x15xi32> to vector<400x15xf32>
      %get3A_101 = arith.constant 0 : index
      %get3A_102 = arith.constant 0 : index
      %get3A_103 = vector.load %arg1[%get3A_101, %get3A_102] : memref<26x512xf32, #tpu.memory_space<vmem>>, vector<26x512xf32>
      %dot_general3A = arith.constant dense<0.000000e+00> : vector<400x512xf32>
      %dot_general3A_104 = tpu.matmul %convert_element_type3A_74, %get3A_103, %dot_general3A {dimension_numbers = #tpu.dot_dimension_numbers<[1], [0], [0], [1], [0, 0, 1, 1], [], []>, precision = #tpu.contract_precision<fp32>, transpose_lhs_hint = false} : vector<400x26xf32>, vector<26x512xf32>, vector<400x512xf32> -> vector<400x512xf32>
      %get3A_105 = arith.constant 0 : index
      %get3A_106 = arith.constant 0 : index
      %get3A_107 = vector.load %arg2[%get3A_105, %get3A_106] : memref<15x512xf32, #tpu.memory_space<vmem>>, vector<15x512xf32>
      %dot_general3A_108 = arith.constant dense<0.000000e+00> : vector<400x512xf32>
      %dot_general3A_109 = tpu.matmul %convert_element_type3A_100, %get3A_107, %dot_general3A_108 {dimension_numbers = #tpu.dot_dimension_numbers<[1], [0], [0], [1], [0, 0, 1, 1], [], []>, precision = #tpu.contract_precision<fp32>, transpose_lhs_hint = false} : vector<400x15xf32>, vector<15x512xf32>, vector<400x512xf32> -> vector<400x512xf32>
      %add3A_110 = arith.addf %dot_general3A_104, %dot_general3A_109 : vector<400x512xf32>
      %swap3A_111 = arith.constant 0 : index
      %swap3A_112 = arith.constant 0 : index
      %swap3A_113 = vector.load %arg7[%swap3A_111, %swap3A_112] : memref<400x512xf32, #tpu.memory_space<vmem>>, vector<400x512xf32>
      tpu.vector_store %arg7[%swap3A_111, %swap3A_112], %add3A_110 {strides = array<i32>} : memref<400x512xf32, #tpu.memory_space<vmem>>, vector<400x512xf32>,
    } else {
    }
    %mul3A = arith.constant 8 : i32
    %mul3A_2 = arith.muli %arg0, %mul3A : i32
    %get3A = arith.index_cast %mul3A_2 : i32 to index
    %get3A_3 = arith.constant 0 : index
    %get3A_4 = vector.load %arg3[%get3A, %get3A_3] : memref<70x512xf32, #tpu.memory_space<vmem>>, vector<8x512xf32>
    %get3A_5 = arith.constant 0 : index
    %get3A_6 = arith.constant 0 : index
    %get3A_7 = vector.load %arg7[%get3A_5, %get3A_6] : memref<400x512xf32, #tpu.memory_space<vmem>>, vector<400x512xf32>
    %broadcast_in_dim3A = vector.shape_cast %get3A_7 : vector<400x512xf32> to vector<1x400x512xf32>
    %broadcast_in_dim3A_8 = vector.shape_cast %get3A_4 : vector<8x512xf32> to vector<8x1x512xf32>
    %add3A = vector.broadcast %broadcast_in_dim3A : vector<1x400x512xf32> to vector<8x400x512xf32>
    %add3A_9 = vector.broadcast %broadcast_in_dim3A_8 : vector<8x1x512xf32> to vector<8x400x512xf32>
    %add3A_10 = arith.addf %add3A, %add3A_9 : vector<8x400x512xf32>
    %reduce_sum3A = arith.constant dense<0.000000e+00> : vector<8x400xf32>
    %reduce_sum3A_11 = vector.multi_reduction <add>, %add3A_10, %reduce_sum3A [2] : vector<8x400x512xf32> to vector<8x400xf32>
    %broadcast_in_dim3A_12 = vector.shape_cast %reduce_sum3A_11 : vector<8x400xf32> to vector<8x400x1xf32>
    %div3A = arith.constant 5.120000e+02 : f32
    %div3A_13 = vector.broadcast %div3A : f32 to vector<8x400x1xf32>
    %div3A_14 = arith.divf %broadcast_in_dim3A_12, %div3A_13 : vector<8x400x1xf32>
    %mul3A_15 = arith.mulf %add3A_10, %add3A_10 : vector<8x400x512xf32>
    %reduce_sum3A_16 = arith.constant dense<0.000000e+00> : vector<8x400xf32>
    %reduce_sum3A_17 = vector.multi_reduction <add>, %mul3A_15, %reduce_sum3A_16 [2] : vector<8x400x512xf32> to vector<8x400xf32>
    %broadcast_in_dim3A_18 = vector.shape_cast %reduce_sum3A_17 : vector<8x400xf32> to vector<8x400x1xf32>
    %div3A_19 = arith.constant 5.120000e+02 : f32
    %div3A_20 = vector.broadcast %div3A_19 : f32 to vector<8x400x1xf32>
    %div3A_21 = arith.divf %broadcast_in_dim3A_18, %div3A_20 : vector<8x400x1xf32>
    %mul3A_22 = arith.mulf %div3A_14, %div3A_14 : vector<8x400x1xf32>
    %sub3A = arith.subf %div3A_21, %mul3A_22 : vector<8x400x1xf32>
    %add3A_23 = arith.constant 9.99999974E-6 : f32
    %add3A_24 = vector.broadcast %add3A_23 : f32 to vector<8x400x1xf32>
    %add3A_25 = arith.addf %sub3A, %add3A_24 : vector<8x400x1xf32>
    %rsqrt3A = math.rsqrt %add3A_25 : vector<8x400x1xf32>
    %get3A_26 = arith.constant 0 : index
    %get3A_27 = arith.constant 0 : index
    %get3A_28 = vector.load %arg4[%get3A_26, %get3A_27] : memref<1x512xf32, #tpu.memory_space<vmem>>, vector<1x512xf32>
    %broadcast_in_dim3A_29 = vector.shape_cast %get3A_28 : vector<1x512xf32> to vector<1x1x512xf32>
    %mul3A_30 = vector.broadcast %rsqrt3A : vector<8x400x1xf32> to vector<8x400x512xf32>
    %mul3A_31 = vector.broadcast %broadcast_in_dim3A_29 : vector<1x1x512xf32> to vector<8x400x512xf32>
    %mul3A_32 = arith.mulf %mul3A_30, %mul3A_31 : vector<8x400x512xf32>
    %get3A_33 = arith.constant 0 : index
    %get3A_34 = arith.constant 0 : index
    %get3A_35 = vector.load %arg5[%get3A_33, %get3A_34] : memref<1x512xf32, #tpu.memory_space<vmem>>, vector<1x512xf32>
    %broadcast_in_dim3A_36 = vector.shape_cast %get3A_35 : vector<1x512xf32> to vector<1x1x512xf32>
    %mul3A_37 = vector.broadcast %div3A_14 : vector<8x400x1xf32> to vector<8x400x512xf32>
    %mul3A_38 = arith.mulf %mul3A_37, %mul3A_32 : vector<8x400x512xf32>
    %sub3A_39 = vector.broadcast %broadcast_in_dim3A_36 : vector<1x1x512xf32> to vector<8x400x512xf32>
    %sub3A_40 = arith.subf %sub3A_39, %mul3A_38 : vector<8x400x512xf32>
    %mul3A_41 = arith.mulf %add3A_10, %mul3A_32 : vector<8x400x512xf32>
    %add3A_42 = arith.addf %mul3A_41, %sub3A_40 : vector<8x400x512xf32>
    %swap3A = arith.constant 0 : index
    %swap3A_43 = arith.constant 0 : index
    %swap3A_44 = arith.constant 0 : index
    %swap3A_45 = vector.load %arg6[%swap3A, %swap3A_43, %swap3A_44] : memref<8x400x512xf32, #tpu.memory_space<vmem>>, vector<8x400x512xf32>
    tpu.vector_store %arg6[%swap3A, %swap3A_43, %swap3A_44], %add3A_42 {strides = array<i32>} : memref<8x400x512xf32, #tpu.memory_space<vmem>>, vector<8x400x512xf32>,
    return
  }
  func.func @transform_0(%arg0: i32) -> (i32, i32) {
    %c0_i32 = arith.constant 0 : i32
    %c0_i32_0 = arith.constant 0 : i32
    %c0_i32_1 = arith.constant 0 : i32
    return %c0_i32, %c0_i32_0 : i32, i32
  }
  func.func @transform_1(%arg0: i32) -> (i32, i32) {
    %c0_i32 = arith.constant 0 : i32
    %c0_i32_0 = arith.constant 0 : i32
    %c0_i32_1 = arith.constant 0 : i32
    return %c0_i32, %c0_i32_0 : i32, i32
  }
  func.func @transform_2(%arg0: i32) -> (i32, i32) {
    %c0_i32 = arith.constant 0 : i32
    %c0_i32_0 = arith.constant 0 : i32
    %c0_i32_1 = arith.constant 0 : i32
    return %c0_i32, %c0_i32_0 : i32, i32
  }
  func.func @transform_3(%arg0: i32) -> (i32, i32) {
    %c0_i32 = arith.constant 0 : i32
    %c0_i32_0 = arith.constant 0 : i32
    %c0_i32_1 = arith.constant 0 : i32
    return %c0_i32, %c0_i32_0 : i32, i32
  }
  func.func @transform_4(%arg0: i32) -> (i32, i32) {
    %c0_i32 = arith.constant 0 : i32
    %c0_i32_0 = arith.constant 0 : i32
    %c0_i32_1 = arith.constant 0 : i32
    return %c0_i32, %c0_i32_0 : i32, i32
  }
  func.func @transform_5(%arg0: i32) -> (i32, i32, i32) {
    %c0_i32 = arith.constant 0 : i32
    %c0_i32_0 = arith.constant 0 : i32
    %c0_i32_1 = arith.constant 0 : i32
    return %arg0, %c0_i32, %c0_i32_0 : i32, i32, i32
  }
}

</mosaic_0001>

<sc_bundles>
// kernel: kernel.4.cloned.1.call-start
scs
__scs_entry_jumppad:
0x0: {  	(pc) =	sbr.rel $0x88, $3  }
0x1: {  	(tag) =	ssettag $0x0;
	lr =	simm.s32 $0x1  }
0x2: {  	[smem:$0x3F9A] =	sst lr;
	_ =	strace $0xD0000000  }
0x3: {  	_ = 	snop  }
0x4: {  	_ = 	snop  }
0x5: {  	_ = 	snop  }
0x6: {  	_ = 	snop  }
0x7: {  	_ = 	snop  }
__scs_overlays_trampoline_lowered:
0x8: {  	[smem:$0x3FA9] =	sst s0  }
0x9: {  	[smem:$0x3FAA] =	sst s1  }
0xa: {  	[smem:$0x3FAB] =	sst s2  }
0xb: {  	[smem:$0x3FAC] =	sst s3  }
0xc: {  	[smem:$0x3FAD] =	sst s4  }
0xd: {  	[smem:$0x3FAE] =	sst s5  }
0xe: {  	[smem:$0x3FAF] =	sst s6  }
0xf: {  	[smem:$0x3FB0] =	sst s7  }
0x10: {  	[smem:$0x3FB1] =	sst s8  }
0x11: {  	[smem:$0x3FB2] =	sst s9;
	s0 =	simm.s32 @!p0 $0x0  }
0x12: {  	s1 =	sld [smem:$0x3F98];
	s0 =	simm.s32 @p0 $0x1  }
0x13: {  	[smem:$0x3FB3] =	sst s0;
	s0 =	simm.s32 @!p1 $0x0  }
0x14: {  	s2 =	sld [smem:$0x3F97];
	s0 =	simm.s32 @p1 $0x1  }
0x15: {  	[smem:$0x3FB4] =	sst s0;
	s0 =	simm.s32 @!p2 $0x0  }
0x16: {  	s3 =	sld [smem:$0x3FDB];
	s0 =	simm.s32 @p2 $0x1  }
0x17: {  	s4 =	simm.s32 $0x1BF5;
	[smem:$0x3FB6] =	sst s0  }
0x18: {  	s0 =	sld [smem:$0x3F99];
	_ =	swait.ge [sflag:s4], $0x0  }
0x19: {  	s7 =	sld [smem:$0x3F9A]  }
0x1a: {  	s8 =	sadd.s32 $0xFFFFE003, lr  }
0x1b: {  	s9 =	sadd.s32 $0xFFFFFEF7, lr;
	s5 =	simm.s32 $0xFFFFFFFF;
	p2 =	slt.u32 s8, $0xFFFFF086  }
0x1c: {  	p1 =	slt.u32 s9, $0xF7A;
	s5 =	simm.s32 @!p2 $0x0  }
0x1d: {  	s5 =	simm.s32 @p1 $0x1;
	p0 =	seq.s32 s7, s2  }
0x1e: {  	s7 =	smul.u32 @!p0 $0xF7A, s2;
	p2 =	seq.s32 @!p0 s5, $0x0  }
0x1f: {  	s9 =	smul.u32 $0xF7A, s1;
	s8 =	simm.s32 @!p0 $0x1BF5;
	p2 =	por !p2, p0  }
0x20: {  	[sflag:s8] =	ssyncset.s32 @!p0 $0xFFFFF086;
	s6 =	sadd.s32 @!p0 s3, s7;
	s7 =	simm.s32 @!p0 $0x108  }
0x21: {  	s3 =	sadd.s32 s3, s9;
	s6 =	sadd.s32 @!p0 $0x88, s6;
	s7 =	simm.s32 @p2 $0x1082  }
0x22: {  	[simem:s7], [sflag:s8] =	dma.local @!p0 [hbm:s6], $0xF7A  }
0x23: {  	s9 =	sor.u32 $0xD0000000, s2;
	s6 =	simm.s32 $0x108;
	_ =	swait.ge @!p0 [sflag:s8], $0x0  }
0x24: {  	s3 =	sadd.s32 $0x88, s3;
	s6 =	simm.s32 @!p1 $0x1082;
	[sflag:s4] =	ssyncset.s32 $0xFFFFF086  }
0x25: {  	[simem:s6], [sflag:s4] =	dma.local [hbm:s3], $0xF7A  }
0x26: {  	[smem:$0x3F9A] =	sst s1;
	(tag) =	ssettag s2;
	_ =	strace s9  }
0x27: {  	s1 =	sld [smem:$0x3FAA]  }
0x28: {  	s2 =	sld [smem:$0x3FAB]  }
0x29: {  	s4 =	sld [smem:$0x3FAD]  }
0x2a: {  	p0 =	seq.s32 s5, $0x0;
	s5 =	sld [smem:$0x3FAE]  }
0x2b: {  	s6 =	sld [smem:$0x3FAF]  }
0x2c: {  	s7 =	sld [smem:$0x3FB0]  }
0x2d: {  	s3 =	simm.s32 $0x108;
	s8 =	sld [smem:$0x3FB1]  }
0x2e: {  	s3 =	simm.s32 @!p0 $0x1082;
	s9 =	sld [smem:$0x3FB2]  }
0x2f: {  	lr =	sadd.s32 s0, s3;
	s0 =	sld [smem:$0x3FA9]  }
0x30: {  	s3 =	sld [smem:$0x3FAC]  }
0x31: {  	[smem:$0x3FB5] =	sst s10  }
0x32: {  	s10 =	sld [smem:$0x3FB3];
	_ =	sdelay $0x3  }
0x33: {  	p0 =	seq.s32 s10, $0x1;
	s10 =	sld [smem:$0x3FB5];
	_ =	sdelay $0x3  }
0x34: {  	[smem:$0x3FB5] =	sst s10  }
0x35: {  	s10 =	sld [smem:$0x3FB4];
	_ =	sdelay $0x3  }
0x36: {  	p1 =	seq.s32 s10, $0x1;
	s10 =	sld [smem:$0x3FB5];
	_ =	sdelay $0x3  }
0x37: {  	[smem:$0x3FB5] =	sst s10  }
0x38: {  	s10 =	sld [smem:$0x3FB6]  }
0x39: {  	_ = 	snop;
	(pc) =	sbr.ind lr, $3  }
0x3a: {  	_ = 	snop  }
0x3b: {  	_ = 	snop  }
0x3c: {  	p2 =	seq.s32 s10, $0x1;
	s10 =	sld [smem:$0x3FB5]  }
0x3d: {  	_ =	shalt  }
0x3e: {  	_ =	shalt  }
0x3f: {  	_ =	shalt  }
0x40: {  	_ =	shalt  }
0x41: {  	_ =	shalt  }
0x42: {  	_ =	shalt  }
0x43: {  	_ =	shalt  }
0x44: {  	_ =	shalt  }
0x45: {  	_ =	shalt  }
0x46: {  	_ =	shalt  }
0x47: {  	_ =	shalt  }
0x48: {  	_ =	shalt  }
0x49: {  	_ =	shalt  }
0x4a: {  	_ =	shalt  }
0x4b: {  	_ =	shalt  }
0x4c: {  	_ =	shalt  }
0x4d: {  	_ =	shalt  }
0x4e: {  	_ =	shalt  }
0x4f: {  	_ =	shalt  }
0x50: {  	_ =	shalt  }
0x51: {  	_ =	shalt  }
0x52: {  	_ =	shalt  }
0x53: {  	_ =	shalt  }
0x54: {  	_ =	shalt  }
0x55: {  	_ =	shalt  }
0x56: {  	_ =	shalt  }
0x57: {  	_ =	shalt  }
0x58: {  	_ =	shalt  }
0x59: {  	_ =	shalt  }
0x5a: {  	_ =	shalt  }
0x5b: {  	_ =	shalt  }
0x5c: {  	_ =	shalt  }
0x5d: {  	_ =	shalt  }
0x5e: {  	_ =	shalt  }
0x5f: {  	_ =	shalt  }
0x60: {  	_ =	shalt  }
0x61: {  	_ =	shalt  }
0x62: {  	_ =	shalt  }
0x63: {  	_ =	shalt  }
0x64: {  	_ =	shalt  }
0x65: {  	_ =	shalt  }
0x66: {  	_ =	shalt  }
0x67: {  	_ =	shalt  }
0x68: {  	_ =	shalt  }
0x69: {  	_ =	shalt  }
0x6a: {  	_ =	shalt  }
0x6b: {  	_ =	shalt  }
0x6c: {  	_ =	shalt  }
0x6d: {  	_ =	shalt  }
0x6e: {  	_ =	shalt  }
0x6f: {  	_ =	shalt  }
0x70: {  	_ =	shalt  }
0x71: {  	_ =	shalt  }
0x72: {  	_ =	shalt  }
0x73: {  	_ =	shalt  }
0x74: {  	_ =	shalt  }
0x75: {  	_ =	shalt  }
0x76: {  	_ =	shalt  }
0x77: {  	_ =	shalt  }
0x78: {  	_ =	shalt  }
0x79: {  	_ =	shalt  }
0x7a: {  	_ =	shalt  }
0x7b: {  	_ =	shalt  }
0x7c: {  	_ =	shalt  }
0x7d: {  	_ =	shalt  }
0x7e: {  	_ =	shalt  }
0x7f: {  	_ =	shalt  }
0x80: {  	_ =	shalt  }
0x81: {  	_ =	shalt  }
0x82: {  	_ =	shalt  }
0x83: {  	_ =	shalt  }
0x84: {  	_ =	shalt  }
0x85: {  	_ =	shalt  }
0x86: {  	_ =	shalt  }
0x87: {  	_ =	shalt  }
.Lfunc_end0:
.L_simem_size_0:
called_computation_lowered:
.L_overlay_start_0:
0x88: {  	s2 =	sld [smem:$0x3FD9]  }
0x89: {  	s3 =	sld [smem:$0x3FFE];
	_ =	sdelay $0x1  }
0x8a: {  	s1 =	srdreg.scid  }
0x8b: {  	s0 =	sand.u32 $0x1, s1  }
0x8c: {  	s17 =	sshll.u32 s0, $0xA;
	s2 =	sadd.s32 s3, s2  }
0x8d: {  	s2 =	sadd.s32 s2, s17  }
0x8e: {  	[smem:$0x3FC1] =	sst s2  }
0x8f: {  	_ = 	snop  }
0x90: {  	s2 =	sld [smem:$0x3FD0];
	(tm) =	ssettm $0x1  }
0x91: {  	s18 =	sld [smem:$0x3FFB];
	_ =	sdelay $0x3  }
0x92: {  	_ =	strace s18  }
0x93: {  	s3 =	sld [smem:$0x3FFC];
	_ =	sdelay $0x3  }
0x94: {  	_ =	strace s3  }
0x95: {  	s3 =	sld [smem:$0x3FFD];
	_ =	sdelay $0x3  }
0x96: {  	_ =	strace s3  }
0x97: {  	_ =	strace $0x8FFFFFFF  }
0x98: {  	s19 =	sld [smem:$0x3FDB];
	_ =	sdelay $0x1  }
0x99: {  	s4 =	simm.s32 $_scs_section_size  }
0x9a: {  	s5 =	simm.s32 $_size__tile_overlayer_lowered;
	s6 =	simm.s32 $_tile_overlayer_lowered  }
0x9b: {  	s22 =	simm.s32 $0x1BFF;
	s21 =	sshll.u32 s6, $0x1;
	s3 =	sadd.s32 s4, s19  }
0x9c: {  	s7 =	simm.s32 $0x0;
	s20 =	sshll.u32 s5, $0x1;
	s5 =	sadd.s32 s21, s3  }
0x9d: {  	[timem:s7], [sflag:s22] =	dma.local [hbm:s5], s20  }
0x9e: {  	_ =	swait.ge [sflag:s22], s20  }
0x9f: {  	s4 =	ssub.s32 $0x0, s20;
	[sflag:s22] =	ssyncset.done $0x0  }
0xa0: {  	[sflag:s22] =	ssyncadd.s32 s4;
	_ =	sdelay $0x1  }
0xa1: {  	s23 =	simm.s32 $0x1B8B  }
0xa2: {  	_ =	swait.ge [sflag:s23], $0x1  }
0xa3: {  	[sflag:s23] =	ssyncset.done $0x0  }
0xa4: {  	s25 =	simm.s32 $0x1B8E;
	s24 =	sld [smem:$0x3FFE];
	[sflag:s23] =	ssyncadd.s32 $0xFFFFFFFF  }
0xa5: {  	s26 =	simm.s32 $execute0_lowered;
	[smem:$0x3FD2] =	sst s25  }
0xa6: {  	s5 =	sshll.u32 s26, $0x1;
	_ =	strace $0x80000046;
	[dreg:$0x1] =	wrdreg $0xFFFFFFFF  }
0xa7: {  	s28 =	simm.s32 $_size_execute0_lowered;
	s3 =	sadd.s32 s3, s5;
	[dreg:$0x0] =	wrdreg $0x0  }
0xa8: {  	s5 =	sshll.u32 s28, $0x1;
	[dreg:$0x2] =	wrdreg s3  }
0xa9: {  	[dreg:$0x3] =	wrdreg s5  }
0xaa: {  	[dreg:$0x4] =	wrdreg $0xC0  }
0xab: {  	_ =	task [dreg:s7], $0x5FFFF  }
0xac: {  	[dreg:$0x1] =	wrdreg $0xFFFFFFFF  }
0xad: {  	[dreg:$0x0] =	wrdreg $0x60  }
0xae: {  	[dreg:$0x2] =	wrdreg s24  }
0xaf: {  	[dreg:$0x3] =	wrdreg s2  }
0xb0: {  	[dreg:$0x4] =	wrdreg $0x9  }
0xb1: {  	_ =	task.clear_ibuf [dreg:s7], $0x5FFFF;
	_ =	strace $0x90000046  }
0xb2: {  	s29 =	simm.s32 $0x9;
	_ =	strace $0x80000048  }
0xb3: {  	_ =	swait.ge [sflag:s29], $0x1  }
0xb4: {  	[sflag:s29] =	ssyncadd.s32 $0xFFFFFFFF  }
0xb5: {  	_ =	strace $0x90000048  }
0xb6: {  	_ =	sfence  }
0xb7: {  	s30 =	sld [smem:$0x0];
	_ =	sdelay $0x2  }
0xb8: {  	s31 =	sshll.u32 s1, $0xD;
	s1 =	sshrl.u32 s1, $0x2  }
0xb9: {  	s3 =	sand.u32 $0x4000, s31;
	s1 =	sadd.s32 s1, s30  }
0xba: {  	s0 =	sor.u32 s3, s0;
	s1 =	sshll.u32 s1, $0x11  }
0xbb: {  	s0 =	sor.u32 s1, s0  }
0xbc: {  	s0 =	sadd.s32 $0x8F2B, s0  }
0xbd: {  	[sflag:s0] =	ssyncadd.remote.s32 $0x1  }
0xbe: {  	_ =	sfence.sel $0xFFFF  }
0xbf: {  	[dreg:$0x0] =	wrdreg $0xFFFFFFFF;
	(pc) =	sbr.abs _section_cstart, $3  }
0xc0: {  	[dreg:$0x1] =	wrdreg $0xFFFFFFFF  }
0xc1: {  	_ =	task.clear_ibuf [dreg:s7], $0x2FFFF;
	_ =	strace $0x9FFFFFFF  }
0xc2: {  	(tm) =	ssettm $0x7FFFFFFF  }
0xc3: {  	_ =	shalt  }
tec
execute0_lowered:
.L_overlay_start_1:
0x0: {  	(tag) =	ssettag $0x1  }
0x1: {  	s0 =	rddreg [dreg:$0x0]  }
0x2: {  	s1 =	rddreg [dreg:$0x1];
	s2 =	simm.s32 $0x0;
	s3 =	srdreg.scid  }
0x3: {  	s8 =	stileid.u32;
	s12 =	simm.s32 $0xC000;
	s28 =	simm.s32 $0x13800  }
0x4: {  	s29 =	simm.s32 $0x14000;
	s30 =	simm.s32 $0x14800;
	s31 =	simm.s32 $0x15000  }
0x5: {  	s9 =	simm.s32 $0x16800;
	s11 =	simm.s32 $0x17000;
	s10 =	simm.s32 $0x19000  }
0x6: {  	s13 =	simm.s32 $0x19800;
	s14 =	simm.s32 $0x1A000;
	s15 =	simm.s32 $0x1A800  }
0x7: {  	s16 =	simm.s32 $0x1B000;
	s17 =	simm.s32 $0x1B800;
	s18 =	simm.s32 $0x1  }
0x8: {  	s19 =	simm.s32 $0x2;
	s20 =	simm.s32 $0x3;
	[smem:$0x7FF] =	sst s2  }
0x9: {  	s4 =	sand.u32 $0x1, s3;
	s21 =	sshll.u32 s8, $0xC;
	s3 =	sadd.s32 $0x20E00, s0  }
0xa: {  	s23 =	sshll.u32 s8, $0x14;
	s5 =	sshll.u32 s4, $0xB;
	s6 =	ssub.s32 $0x2, s4  }
0xb: {  	_ =	strace $0x80000047;
	s24 =	sadd.s32 s23, s1;
	s25 =	sshll.u32 s4, $0x13  }
0xc: {  	s1 =	simm.s32 $0x16000;
	s4 =	simm.s32 $0x17800;
	s23 =	simm.s32 $0x0  }
0xd: {  	s5 =	sor.u32 s5, s21;
	s7 =	sshrl.u32 s6, $0x1;
	s8 =	sadd.s32 s25, s24  }
.Ltmp0:
0xe: {  	s25 =	simm.s32 $0x12800;
	s5 =	sadd.s32 s5, s0;
	(pc) =	sbr.rel .LBB2_1-.Ltmp0, $4  }
0xf: {  	v6 =	vlaneseq.u32;
	s7 =	ssub.s32 s6, s7;
	s6 =	sadd.s32 $0x20F00, s0;
	s22 =	sadd.s32 $0xE00, s5  }
0x10: {  	vm0 =	vmmov $0xffff;
	v0 =	vmul.u32 $0x190, v6;
	v5 =	vshrl.u32 v6, $0x3;
	s0 =	simm.s32 $0x15800;
	s5 =	sadd.s32 $0x10E00, s5;
	[dreg:$0x3] =	wrdreg s22  }
0x11: {  	v4 =	vand.u32 $0x7, v6;
	v6 =	vor.u32 $0x8, v6;
	v5 =	vmul.u32 $0x8, v5;
	s26 =	smax.u32 s7, $0x1;
	s7 =	simm.s32 $0x18800;
	[dreg:$0x4] =	wrdreg s5  }
0x12: {  	v1 =	vadd.s32 $0x1900, v0;
	v2 =	vadd.s32 $0x3200, v0;
	v3 =	vadd.s32 $0x4B00, v0;
	[dreg:$0x5] =	wrdreg s26;
	s26 =	simm.s32 $0x13000;
	s5 =	simm.s32 $0x18000  }
.LBB2_7:
0x13: {  	_ =	swait.ge [sflag:s20], $0x8000  }
0x14: {  	[sflag:s20] =	ssyncset.done $0x0  }
0x15: {  	s22 =	simm.s32 $0x4;
	[sflag:s20] =	ssyncadd.s32 $0xFFFF8000  }
0x16: {  	_ =	swait.ge [sflag:s22], $0x8000  }
0x17: {  	s23 =	rddreg [dreg:$0x6]  }
0x18: {  	s21 =	rddreg [dreg:$0x5];
	s23 =	sadd.s32 $0x1, s23  }
0x19: {  	p0 =	sne.s32 s23, s21  }
.Ltmp1:
0x1a: {  	_ = 	snop;
	(pc) =	sbr.rel @!p0 .LBB2_8-.Ltmp1, $3  }
0x1b: {  	_ =	sdelay $0x1  }
0x1c: {  	[sflag:s22] =	ssyncset.done $0x0  }
0x1d: {  	[sflag:s22] =	ssyncadd.s32 $0xFFFF8000  }
.LBB2_1:
0x1e: {  	s21 =	rddreg [dreg:$0x3];
	s22 =	simm.s32 $0x4000  }
0x1f: {  	[tilespmem:s22], [sflag:$0x5] =	stream.linear.gather [hbm4b:s21+s2], $0x4000, $0x38;
	[tilespmem:$0x1C000] =	vst v63  }
0x20: {  	[dreg:$0x6] =	wrdreg s23;
	s22 =	simm.s32 $0x5  }
0x21: {  	_ =	swait.ge [sflag:s22], $0x4000  }
0x22: {  	[sflag:s22] =	ssyncset.done $0x0  }
0x23: {  	s24 =	simm.s32 $0x8000;
	s23 =	rddreg [dreg:$0x4];
	[sflag:s22] =	ssyncadd.s32 $0xFFFFC000  }
0x24: {  	[tilespmem:s24], [sflag:$0x5] =	stream.linear.gather [hbm4b:s23+s2], $0x4000, $0x38;
	[tilespmem:$0x1C000] =	vst v63  }
0x25: {  	_ =	swait.ge [sflag:s22], $0x4000  }
0x26: {  	[sflag:s22] =	ssyncset.done $0x0  }
0x27: {  	[sflag:s22] =	ssyncadd.s32 $0xFFFFC000;
	s22 =	simm.s32 $0x0  }
0x28: {  	v10 =	vld [tilespmem:s22+$0x4030]  }
0x29: {  	v11 =	vld [tilespmem:s22+$0x4000]  }
0x2a: {  	v13 =	vld [tilespmem:s22+$0x8030]  }
0x2b: {  	v8 =	vld [tilespmem:s22+$0x4010]  }
0x2c: {  	v7 =	vld [tilespmem:s22+$0x4020]  }
0x2d: {  	v9 =	vld [tilespmem:s22+$0x8000];
	v14 =	vmul.u32 $0xF, v10  }
0x2e: {  	v10 =	vld [tilespmem:s22+$0x8010]  }
0x2f: {  	s21 =	simm.s32 $0x80;
	s23 =	simm.s32 $0x400;
	v12 =	vmul.u32 $0xF, v11;
	v11 =	vld [tilespmem:s22+$0x8020];
	v13 =	vadd.s32 v13, v14  }
.LBB2_2:
0x30: {  	p0 =	sne.s32 s23, $0xFE00;
	v14 =	vld [tilespmem:s21+$0x4030];
	v15 =	vmul.u32 $0xF, v8;
	v8 =	vadd.s32 v3, v13  }
0x31: {  	v13 =	vld [tilespmem:s21+$0x4000];
	v16 =	vmul.u32 $0xF, v7;
	[tilespmem:s22+$0x30] =	vst v8  }
0x32: {  	v17 =	vld [tilespmem:s21+$0x8030];
	v7 =	vadd.s32 v9, v12  }
.Ltmp2:
0x33: {  	v8 =	vld [tilespmem:s21+$0x4010];
	v9 =	vadd.s32 v0, v7;
	v10 =	vadd.s32 v10, v15;
	(pc) =	sbr.rel @p0 .LBB2_2-.Ltmp2, $4  }
0x34: {  	v7 =	vld [tilespmem:s21+$0x4020];
	[tilespmem:s22+$0x0] =	vst v9;
	v10 =	vadd.s32 v1, v10;
	v11 =	vadd.s32 v11, v16  }
0x35: {  	v9 =	vld [tilespmem:s21+$0x8000];
	v14 =	vmul.u32 $0xF, v14;
	[tilespmem:s22+$0x10] =	vst v10;
	v11 =	vadd.s32 v2, v11  }
0x36: {  	v12 =	vmul.u32 $0xF, v13;
	v10 =	vld [tilespmem:s21+$0x8010];
	[tilespmem:s22+$0x20] =	vst v11;
	s22 =	smov.u32 s21  }
0x37: {  	s21 =	sshra.s32 s23, $0x2;
	s23 =	sadd.s32 $0x200, s23;
	v11 =	vld [tilespmem:s22+$0x8020];
	v13 =	vadd.s32 v17, v14  }
0x38: {  	v14 =	vld [tilespmem:s21+$0x4030];
	v13 =	vadd.s32 v3, v13  }
0x39: {  	v15 =	vld [tilespmem:s21+$0x4000];
	v8 =	vmul.u32 $0xF, v8;
	[tilespmem:s22+$0x30] =	vst v13  }
0x3a: {  	v7 =	vmul.u32 $0xF, v7;
	v13 =	vld [tilespmem:s21+$0x8030];
	v9 =	vadd.s32 v9, v12  }
0x3b: {  	v60 =	vld [tilespmem:s21+$0x4010];
	v9 =	vadd.s32 v0, v9;
	v8 =	vadd.s32 v10, v8  }
0x3c: {  	v16 =	vld [tilespmem:s21+$0x4020];
	[tilespmem:s22+$0x0] =	vst v9;
	v8 =	vadd.s32 v1, v8;
	v7 =	vadd.s32 v11, v7  }
0x3d: {  	v9 =	vld [tilespmem:s21+$0x8000];
	[tilespmem:s22+$0x10] =	vst v8;
	v7 =	vadd.s32 v2, v7  }
0x3e: {  	v8 =	vld [tilespmem:s21+$0x8010];
	[tilespmem:s22+$0x20] =	vst v7  }
0x3f: {  	v7 =	vmul.u32 $0xF, v14;
	v61 =	vld [tilespmem:s21+$0x8020]  }
0x40: {  	v62 =	vmul.u32 $0xF, v15  }
0x41: {  	v12 =	vmul.u32 $0xF, v60;
	v7 =	vadd.s32 v13, v7  }
0x42: {  	v63 =	vmul.u32 $0xF, v16;
	v7 =	vadd.s32 v3, v7;
	v9 =	vadd.s32 v9, v62  }
0x43: {  	[tilespmem:s21+$0x30] =	vst v7;
	v7 =	vadd.s32 v0, v9;
	v8 =	vadd.s32 v8, v12  }
0x44: {  	[tilespmem:s21+$0x0] =	vst v7;
	v7 =	vadd.s32 v1, v8;
	v8 =	vadd.s32 v61, v63  }
0x45: {  	[tilespmem:s21+$0x10] =	vst v7;
	v7 =	vadd.s32 v2, v8  }
0x46: {  	[tilespmem:s21+$0x20] =	vst v7  }
0x47: {  	v7 =	vld [tilespmem:$0x0];
	_ =	sdelay $0x4  }
0x48: {  	v8 =	vshll.u32 v7, $0x2  }
0x49: {  	v7 =	vand.u32 $0x7, v7;
	v8 =	vand.u32 $0xFFFFFFE0, v8  }
0x4a: {  	v7 =	vor.u32 v7, v8  }
0x4b: {  	v8 =	vperm.xlane v7, v4;
	_ =	sdelay $0x1  }
0x4c: {  	v8 =	vadd.s32 v5, v8;
	_ =	sdelay $0x1  }
0x4d: {  	v7 =	vperm.xlane v7, v6;
	_ =	sdelay $0x1  }
0x4e: {  	s21 =	simm.s32 $0x0;
	v7 =	vadd.s32 v5, v7  }
0x4f: {  	[tilespmem:s12], [sflag:$0x1] =	stream.indirect_vreg.gather [hbm4b:s3+s21], $0x80, v8, vm0, $0xb8;
	[tilespmem:$0x1C000] =	vst v63  }
0x50: {  	s23 =	simm.s32 $0xC800  }
0x51: {  	[tilespmem:s23], [sflag:$0x1] =	stream.indirect_vreg.gather [hbm4b:s6+s21], $0x80, v8, vm0, $0xb8;
	[tilespmem:$0x1C000] =	vst v63  }
0x52: {  	s24 =	simm.s32 $0xD000  }
0x53: {  	[tilespmem:s24], [sflag:$0x1] =	stream.indirect_vreg.gather [hbm4b:s3+s21], $0x80, v7, vm0, $0xb8;
	[tilespmem:$0x1C000] =	vst v63  }
0x54: {  	s23 =	simm.s32 $0xD800  }
0x55: {  	[tilespmem:s23], [sflag:$0x1] =	stream.indirect_vreg.gather [hbm4b:s6+s21], $0x80, v7, vm0, $0xb8;
	[tilespmem:$0x1C000] =	vst v63  }
0x56: {  	v7 =	vld [tilespmem:$0x10];
	_ =	sdelay $0x4  }
0x57: {  	v8 =	vshll.u32 v7, $0x2  }
0x58: {  	v7 =	vand.u32 $0x7, v7;
	v8 =	vand.u32 $0xFFFFFFE0, v8  }
0x59: {  	v7 =	vor.u32 v7, v8  }
0x5a: {  	v8 =	vperm.xlane v7, v4;
	_ =	sdelay $0x1  }
0x5b: {  	v8 =	vadd.s32 v5, v8;
	_ =	sdelay $0x1  }
0x5c: {  	v7 =	vperm.xlane v7, v6;
	_ =	sdelay $0x1  }
0x5d: {  	s24 =	simm.s32 $0xE000;
	v7 =	vadd.s32 v5, v7  }
0x5e: {  	[tilespmem:s24], [sflag:$0x1] =	stream.indirect_vreg.gather [hbm4b:s3+s21], $0x80, v8, vm0, $0xb8;
	[tilespmem:$0x1C000] =	vst v63  }
0x5f: {  	s23 =	simm.s32 $0xE800  }
0x60: {  	[tilespmem:s23], [sflag:$0x1] =	stream.indirect_vreg.gather [hbm4b:s6+s21], $0x80, v8, vm0, $0xb8;
	[tilespmem:$0x1C000] =	vst v63  }
0x61: {  	s24 =	simm.s32 $0xF000  }
0x62: {  	[tilespmem:s24], [sflag:$0x1] =	stream.indirect_vreg.gather [hbm4b:s3+s21], $0x80, v7, vm0, $0xb8;
	[tilespmem:$0x1C000] =	vst v63  }
0x63: {  	s23 =	simm.s32 $0xF800  }
0x64: {  	[tilespmem:s23], [sflag:$0x1] =	stream.indirect_vreg.gather [hbm4b:s6+s21], $0x80, v7, vm0, $0xb8;
	[tilespmem:$0x1C000] =	vst v63  }
0x65: {  	v7 =	vld [tilespmem:$0x20];
	_ =	sdelay $0x4  }
0x66: {  	v8 =	vshll.u32 v7, $0x2  }
0x67: {  	v7 =	vand.u32 $0x7, v7;
	v8 =	vand.u32 $0xFFFFFFE0, v8  }
0x68: {  	v7 =	vor.u32 v7, v8  }
0x69: {  	v8 =	vperm.xlane v7, v4;
	_ =	sdelay $0x1  }
0x6a: {  	v8 =	vadd.s32 v5, v8;
	_ =	sdelay $0x1  }
0x6b: {  	v7 =	vperm.xlane v7, v6;
	_ =	sdelay $0x1  }
0x6c: {  	s24 =	simm.s32 $0x10000;
	v7 =	vadd.s32 v5, v7  }
0x6d: {  	[tilespmem:s24], [sflag:$0x1] =	stream.indirect_vreg.gather [hbm4b:s3+s21], $0x80, v8, vm0, $0xb8;
	[tilespmem:$0x1C000] =	vst v63  }
0x6e: {  	s23 =	simm.s32 $0x10800  }
0x6f: {  	[tilespmem:s23], [sflag:$0x1] =	stream.indirect_vreg.gather [hbm4b:s6+s21], $0x80, v8, vm0, $0xb8;
	[tilespmem:$0x1C000] =	vst v63  }
0x70: {  	s24 =	simm.s32 $0x11000  }
0x71: {  	[tilespmem:s24], [sflag:$0x1] =	stream.indirect_vreg.gather [hbm4b:s3+s21], $0x80, v7, vm0, $0xb8;
	[tilespmem:$0x1C000] =	vst v63  }
0x72: {  	s23 =	simm.s32 $0x11800  }
0x73: {  	[tilespmem:s23], [sflag:$0x1] =	stream.indirect_vreg.gather [hbm4b:s6+s21], $0x80, v7, vm0, $0xb8;
	[tilespmem:$0x1C000] =	vst v63  }
0x74: {  	v7 =	vld [tilespmem:$0x30];
	_ =	sdelay $0x4  }
0x75: {  	v8 =	vshll.u32 v7, $0x2  }
0x76: {  	v7 =	vand.u32 $0x7, v7;
	v8 =	vand.u32 $0xFFFFFFE0, v8  }
0x77: {  	v7 =	vor.u32 v7, v8  }
0x78: {  	v8 =	vperm.xlane v7, v4;
	_ =	sdelay $0x1  }
0x79: {  	v8 =	vadd.s32 v5, v8;
	_ =	sdelay $0x2  }
0x7a: {  	v7 =	vperm.xlane v7, v6  }
0x7b: {  	s24 =	simm.s32 $0x12000  }
0x7c: {  	v7 =	vadd.s32 v5, v7;
	[tilespmem:s24], [sflag:$0x1] =	stream.indirect_vreg.gather [hbm4b:s3+s21], $0x80, v8, vm0, $0xb8;
	[tilespmem:$0x1C000] =	vst v63  }
0x7d: {  	_ = 	snop  }
0x7e: {  	[tilespmem:s25], [sflag:$0x1] =	stream.indirect_vreg.gather [hbm4b:s6+s21], $0x80, v8, vm0, $0xb8;
	[tilespmem:$0x1C000] =	vst v63  }
.Ltmp3:
0x7f: {  	_ = 	snop;
	(pc) =	sbr.rel .LBB2_4-.Ltmp3, $4  }
0x80: {  	_ = 	snop  }
0x81: {  	[tilespmem:s26], [sflag:$0x1] =	stream.indirect_vreg.gather [hbm4b:s3+s21], $0x80, v7, vm0, $0xb8;
	[tilespmem:$0x1C000] =	vst v63  }
0x82: {  	s22 =	simm.s32 $0xA0  }
0x83: {  	[tilespmem:s28], [sflag:$0x1] =	stream.indirect_vreg.gather [hbm4b:s6+s21], $0x80, v7, vm0, $0xb8;
	[tilespmem:$0x1C000] =	vst v63  }
.LBB2_6:
0x84: {  	s21 =	sadd.s32 $0x2000, s21  }
0x85: {  	p0 =	sne.s32 s21, $0x80000  }
.Ltmp4:
0x86: {  	_ = 	snop;
	(pc) =	sbr.rel @!p0 .LBB2_7-.Ltmp4, $4  }
0x87: {  	_ =	swait.ge [sflag:s19], $0x8000  }
0x88: {  	[sflag:s19] =	ssyncset.done $0x0  }
0x89: {  	s23 =	sadd.s32 $0x1000, s23;
	s22 =	sadd.s32 $0x100, s22;
	[sflag:s19] =	ssyncadd.s32 $0xFFFF8000  }
0x8a: {  	[hbm4b:s23+s2] =	stream.linear.scatter [tilespmem:s29], [sflag:$0x4], $0x8000, $0x38;
	[tilespmem:$0x1C000] =	vst v63  }
.LBB2_4:
0x8b: {  	p0 =	seq.s32 s21, $0x0  }
0x8c: {  	s23 =	simm.s32 @!p0 $0x4  }
0x8d: {  	_ =	swait.ge @!p0 [sflag:s23], $0x8000  }
0x8e: {  	[sflag:s23] =	ssyncset.done @!p0 $0x0  }
0x8f: {  	[sflag:s23] =	ssyncadd.s32 @!p0 $0xFFFF8000  }
0x90: {  	v7 =	vld [tilespmem:s22+$0xFFFFFFE0];
	_ =	sdelay $0x4  }
0x91: {  	v8 =	vshll.u32 v7, $0x2  }
0x92: {  	v7 =	vand.u32 $0x7, v7;
	v8 =	vand.u32 $0xFFFFFFE0, v8  }
0x93: {  	v7 =	vor.u32 v7, v8  }
0x94: {  	v8 =	vperm.xlane v7, v4;
	_ =	sdelay $0x1  }
0x95: {  	v8 =	vadd.s32 v5, v8;
	_ =	sdelay $0x1  }
0x96: {  	v7 =	vperm.xlane v7, v6;
	_ =	sdelay $0x1  }
0x97: {  	v7 =	vadd.s32 v5, v7  }
0x98: {  	[tilespmem:s29], [sflag:$0x2] =	stream.indirect_vreg.gather [hbm4b:s3+s2], $0x80, v8, vm0, $0xb8;
	[tilespmem:$0x1C000] =	vst v63  }
0x99: {  	_ = 	snop  }
0x9a: {  	[tilespmem:s30], [sflag:$0x2] =	stream.indirect_vreg.gather [hbm4b:s6+s2], $0x80, v8, vm0, $0xb8;
	[tilespmem:$0x1C000] =	vst v63  }
0x9b: {  	_ = 	snop  }
0x9c: {  	[tilespmem:s31], [sflag:$0x2] =	stream.indirect_vreg.gather [hbm4b:s3+s2], $0x80, v7, vm0, $0xb8;
	[tilespmem:$0x1C000] =	vst v63  }
0x9d: {  	_ = 	snop  }
0x9e: {  	[tilespmem:s0], [sflag:$0x2] =	stream.indirect_vreg.gather [hbm4b:s6+s2], $0x80, v7, vm0, $0xb8;
	[tilespmem:$0x1C000] =	vst v63  }
0x9f: {  	v7 =	vld [tilespmem:s22+$0xFFFFFFF0];
	_ =	sdelay $0x4  }
0xa0: {  	v8 =	vshll.u32 v7, $0x2  }
0xa1: {  	v7 =	vand.u32 $0x7, v7;
	v8 =	vand.u32 $0xFFFFFFE0, v8  }
0xa2: {  	v7 =	vor.u32 v7, v8  }
0xa3: {  	v8 =	vperm.xlane v7, v4;
	_ =	sdelay $0x1  }
0xa4: {  	v8 =	vadd.s32 v5, v8;
	_ =	sdelay $0x1  }
0xa5: {  	v7 =	vperm.xlane v7, v6;
	_ =	sdelay $0x1  }
0xa6: {  	v7 =	vadd.s32 v5, v7  }
0xa7: {  	[tilespmem:s1], [sflag:$0x2] =	stream.indirect_vreg.gather [hbm4b:s3+s2], $0x80, v8, vm0, $0xb8;
	[tilespmem:$0x1C000] =	vst v63  }
0xa8: {  	_ = 	snop  }
0xa9: {  	[tilespmem:s9], [sflag:$0x2] =	stream.indirect_vreg.gather [hbm4b:s6+s2], $0x80, v8, vm0, $0xb8;
	[tilespmem:$0x1C000] =	vst v63  }
0xaa: {  	_ = 	snop  }
0xab: {  	[tilespmem:s11], [sflag:$0x2] =	stream.indirect_vreg.gather [hbm4b:s3+s2], $0x80, v7, vm0, $0xb8;
	[tilespmem:$0x1C000] =	vst v63  }
0xac: {  	_ = 	snop  }
0xad: {  	[tilespmem:s4], [sflag:$0x2] =	stream.indirect_vreg.gather [hbm4b:s6+s2], $0x80, v7, vm0, $0xb8;
	[tilespmem:$0x1C000] =	vst v63  }
0xae: {  	v7 =	vld [tilespmem:s22+$0x0];
	_ =	sdelay $0x4  }
0xaf: {  	v8 =	vshll.u32 v7, $0x2  }
0xb0: {  	v7 =	vand.u32 $0x7, v7;
	v8 =	vand.u32 $0xFFFFFFE0, v8  }
0xb1: {  	v7 =	vor.u32 v7, v8  }
0xb2: {  	v8 =	vperm.xlane v7, v4;
	_ =	sdelay $0x1  }
0xb3: {  	v8 =	vadd.s32 v5, v8;
	_ =	sdelay $0x1  }
0xb4: {  	v7 =	vperm.xlane v7, v6;
	_ =	sdelay $0x1  }
0xb5: {  	v7 =	vadd.s32 v5, v7  }
0xb6: {  	[tilespmem:s5], [sflag:$0x2] =	stream.indirect_vreg.gather [hbm4b:s3+s2], $0x80, v8, vm0, $0xb8;
	[tilespmem:$0x1C000] =	vst v63  }
0xb7: {  	_ = 	snop  }
0xb8: {  	[tilespmem:s7], [sflag:$0x2] =	stream.indirect_vreg.gather [hbm4b:s6+s2], $0x80, v8, vm0, $0xb8;
	[tilespmem:$0x1C000] =	vst v63  }
0xb9: {  	_ = 	snop  }
0xba: {  	[tilespmem:s10], [sflag:$0x2] =	stream.indirect_vreg.gather [hbm4b:s3+s2], $0x80, v7, vm0, $0xb8;
	[tilespmem:$0x1C000] =	vst v63  }
0xbb: {  	_ = 	snop  }
0xbc: {  	[tilespmem:s13], [sflag:$0x2] =	stream.indirect_vreg.gather [hbm4b:s6+s2], $0x80, v7, vm0, $0xb8;
	[tilespmem:$0x1C000] =	vst v63  }
0xbd: {  	v7 =	vld [tilespmem:s22+$0x10];
	_ =	sdelay $0x4  }
0xbe: {  	v8 =	vshll.u32 v7, $0x2  }
0xbf: {  	v7 =	vand.u32 $0x7, v7;
	v8 =	vand.u32 $0xFFFFFFE0, v8  }
0xc0: {  	v7 =	vor.u32 v7, v8  }
0xc1: {  	v8 =	vperm.xlane v7, v4;
	_ =	sdelay $0x1  }
0xc2: {  	v8 =	vadd.s32 v5, v8;
	_ =	sdelay $0x1  }
0xc3: {  	v7 =	vperm.xlane v7, v6;
	_ =	sdelay $0x1  }
0xc4: {  	v7 =	vadd.s32 v5, v7  }
0xc5: {  	[tilespmem:s14], [sflag:$0x2] =	stream.indirect_vreg.gather [hbm4b:s3+s2], $0x80, v8, vm0, $0xb8;
	[tilespmem:$0x1C000] =	vst v63  }
0xc6: {  	_ = 	snop  }
0xc7: {  	[tilespmem:s15], [sflag:$0x2] =	stream.indirect_vreg.gather [hbm4b:s6+s2], $0x80, v8, vm0, $0xb8;
	[tilespmem:$0x1C000] =	vst v63  }
0xc8: {  	_ = 	snop  }
0xc9: {  	[tilespmem:s16], [sflag:$0x2] =	stream.indirect_vreg.gather [hbm4b:s3+s2], $0x80, v7, vm0, $0xb8;
	[tilespmem:$0x1C000] =	vst v63  }
0xca: {  	p0 =	seq.s32 s21, $0x7E000  }
0xcb: {  	[tilespmem:s17], [sflag:$0x2] =	stream.indirect_vreg.gather [hbm4b:s6+s2], $0x80, v7, vm0, $0xb8;
	[tilespmem:$0x1C000] =	vst v63  }
.Ltmp5:
0xcc: {  	_ = 	snop;
	(pc) =	sbr.rel @p0 .LBB2_6-.Ltmp5, $4  }
0xcd: {  	_ =	swait.ge [sflag:s18], $0x8000  }
0xce: {  	[sflag:s18] =	ssyncset.done $0x0  }
0xcf: {  	s23 =	sadd.s32 s21, s8;
	[sflag:s18] =	ssyncadd.s32 $0xFFFF8000  }
0xd0: {  	[hbm4b:s23+s2] =	stream.linear.scatter [tilespmem:s12], [sflag:$0x3], $0x8000, $0x38;
	[tilespmem:$0x1C000] =	vst v63  }
0xd1: {  	_ =	swait.ge [sflag:s20], $0x8000  }
0xd2: {  	[sflag:s20] =	ssyncset.done $0x0  }
0xd3: {  	[sflag:s20] =	ssyncadd.s32 $0xFFFF8000  }
0xd4: {  	v7 =	vld [tilespmem:s22+$0x60];
	_ =	sdelay $0x4  }
0xd5: {  	v8 =	vshll.u32 v7, $0x2  }
0xd6: {  	v7 =	vand.u32 $0x7, v7;
	v8 =	vand.u32 $0xFFFFFFE0, v8  }
0xd7: {  	v7 =	vor.u32 v7, v8  }
0xd8: {  	v8 =	vperm.xlane v7, v4;
	_ =	sdelay $0x1  }
0xd9: {  	v8 =	vadd.s32 v5, v8;
	_ =	sdelay $0x1  }
0xda: {  	v7 =	vperm.xlane v7, v6;
	_ =	sdelay $0x1  }
0xdb: {  	v7 =	vadd.s32 v5, v7  }
0xdc: {  	[tilespmem:s12], [sflag:$0x1] =	stream.indirect_vreg.gather [hbm4b:s3+s2], $0x80, v8, vm0, $0xb8;
	[tilespmem:$0x1C000] =	vst v63  }
0xdd: {  	s24 =	simm.s32 $0xC800  }
0xde: {  	[tilespmem:s24], [sflag:$0x1] =	stream.indirect_vreg.gather [hbm4b:s6+s2], $0x80, v8, vm0, $0xb8;
	[tilespmem:$0x1C000] =	vst v63  }
0xdf: {  	s24 =	simm.s32 $0xD000  }
0xe0: {  	[tilespmem:s24], [sflag:$0x1] =	stream.indirect_vreg.gather [hbm4b:s3+s2], $0x80, v7, vm0, $0xb8;
	[tilespmem:$0x1C000] =	vst v63  }
0xe1: {  	s24 =	simm.s32 $0xD800  }
0xe2: {  	[tilespmem:s24], [sflag:$0x1] =	stream.indirect_vreg.gather [hbm4b:s6+s2], $0x80, v7, vm0, $0xb8;
	[tilespmem:$0x1C000] =	vst v63  }
0xe3: {  	v7 =	vld [tilespmem:s22+$0x70];
	_ =	sdelay $0x4  }
0xe4: {  	v8 =	vshll.u32 v7, $0x2  }
0xe5: {  	v7 =	vand.u32 $0x7, v7;
	v8 =	vand.u32 $0xFFFFFFE0, v8  }
0xe6: {  	v7 =	vor.u32 v7, v8  }
0xe7: {  	v8 =	vperm.xlane v7, v4;
	_ =	sdelay $0x1  }
0xe8: {  	v8 =	vadd.s32 v5, v8;
	_ =	sdelay $0x1  }
0xe9: {  	v7 =	vperm.xlane v7, v6;
	_ =	sdelay $0x1  }
0xea: {  	s24 =	simm.s32 $0xE000;
	v7 =	vadd.s32 v5, v7  }
0xeb: {  	[tilespmem:s24], [sflag:$0x1] =	stream.indirect_vreg.gather [hbm4b:s3+s2], $0x80, v8, vm0, $0xb8;
	[tilespmem:$0x1C000] =	vst v63  }
0xec: {  	s24 =	simm.s32 $0xE800  }
0xed: {  	[tilespmem:s24], [sflag:$0x1] =	stream.indirect_vreg.gather [hbm4b:s6+s2], $0x80, v8, vm0, $0xb8;
	[tilespmem:$0x1C000] =	vst v63  }
0xee: {  	s24 =	simm.s32 $0xF000  }
0xef: {  	[tilespmem:s24], [sflag:$0x1] =	stream.indirect_vreg.gather [hbm4b:s3+s2], $0x80, v7, vm0, $0xb8;
	[tilespmem:$0x1C000] =	vst v63  }
0xf0: {  	s24 =	simm.s32 $0xF800  }
0xf1: {  	[tilespmem:s24], [sflag:$0x1] =	stream.indirect_vreg.gather [hbm4b:s6+s2], $0x80, v7, vm0, $0xb8;
	[tilespmem:$0x1C000] =	vst v63  }
0xf2: {  	v7 =	vld [tilespmem:s22+$0x80];
	_ =	sdelay $0x4  }
0xf3: {  	v8 =	vshll.u32 v7, $0x2  }
0xf4: {  	v7 =	vand.u32 $0x7, v7;
	v8 =	vand.u32 $0xFFFFFFE0, v8  }
0xf5: {  	v7 =	vor.u32 v7, v8  }
0xf6: {  	v8 =	vperm.xlane v7, v4;
	_ =	sdelay $0x1  }
0xf7: {  	v8 =	vadd.s32 v5, v8;
	_ =	sdelay $0x1  }
0xf8: {  	v7 =	vperm.xlane v7, v6;
	_ =	sdelay $0x1  }
0xf9: {  	s24 =	simm.s32 $0x10000;
	v7 =	vadd.s32 v5, v7  }
0xfa: {  	[tilespmem:s24], [sflag:$0x1] =	stream.indirect_vreg.gather [hbm4b:s3+s2], $0x80, v8, vm0, $0xb8;
	[tilespmem:$0x1C000] =	vst v63  }
0xfb: {  	s24 =	simm.s32 $0x10800  }
0xfc: {  	[tilespmem:s24], [sflag:$0x1] =	stream.indirect_vreg.gather [hbm4b:s6+s2], $0x80, v8, vm0, $0xb8;
	[tilespmem:$0x1C000] =	vst v63  }
0xfd: {  	s24 =	simm.s32 $0x11000  }
0xfe: {  	[tilespmem:s24], [sflag:$0x1] =	stream.indirect_vreg.gather [hbm4b:s3+s2], $0x80, v7, vm0, $0xb8;
	[tilespmem:$0x1C000] =	vst v63  }
0xff: {  	s24 =	simm.s32 $0x11800  }
0x100: {  	[tilespmem:s24], [sflag:$0x1] =	stream.indirect_vreg.gather [hbm4b:s6+s2], $0x80, v7, vm0, $0xb8;
	[tilespmem:$0x1C000] =	vst v63  }
0x101: {  	v7 =	vld [tilespmem:s22+$0x90];
	_ =	sdelay $0x4  }
0x102: {  	v8 =	vshll.u32 v7, $0x2  }
0x103: {  	v7 =	vand.u32 $0x7, v7;
	v8 =	vand.u32 $0xFFFFFFE0, v8  }
0x104: {  	v7 =	vor.u32 v7, v8  }
0x105: {  	v8 =	vperm.xlane v7, v4;
	_ =	sdelay $0x1  }
0x106: {  	v8 =	vadd.s32 v5, v8;
	_ =	sdelay $0x2  }
0x107: {  	v7 =	vperm.xlane v7, v6  }
0x108: {  	s24 =	simm.s32 $0x12000  }
0x109: {  	v7 =	vadd.s32 v5, v7;
	[tilespmem:s24], [sflag:$0x1] =	stream.indirect_vreg.gather [hbm4b:s3+s2], $0x80, v8, vm0, $0xb8;
	[tilespmem:$0x1C000] =	vst v63  }
0x10a: {  	_ = 	snop  }
0x10b: {  	[tilespmem:s25], [sflag:$0x1] =	stream.indirect_vreg.gather [hbm4b:s6+s2], $0x80, v8, vm0, $0xb8;
	[tilespmem:$0x1C000] =	vst v63  }
.Ltmp6:
0x10c: {  	_ = 	snop;
	(pc) =	sbr.rel .LBB2_6-.Ltmp6, $4  }
0x10d: {  	_ = 	snop  }
0x10e: {  	[tilespmem:s26], [sflag:$0x1] =	stream.indirect_vreg.gather [hbm4b:s3+s2], $0x80, v7, vm0, $0xb8;
	[tilespmem:$0x1C000] =	vst v63  }
0x10f: {  	_ = 	snop  }
0x110: {  	[tilespmem:s28], [sflag:$0x1] =	stream.indirect_vreg.gather [hbm4b:s6+s2], $0x80, v7, vm0, $0xb8;
	[tilespmem:$0x1C000] =	vst v63  }
.LBB2_8:
0x111: {  	_ =	sfence.sel $0x180000  }
0x112: {  	[bflag:$0x0] =	sbarrier.arrive $0xFFFF  }
0x113: {  	_ =	strace $0x90000047  }
0x114: {  	s0 =	stileid.u32;
	[bflag:$0x2] =	sbarrier.arrive $0xFFFF  }
0x115: {  	p0 =	sne.s32 s0, $0x0;
	s0 =	rddreg [dreg:$0x2]  }
0x116: {  	s0 =	sadd.s32 @!p0 $0x100000, s0  }
0x117: {  	[sflag:s0] =	ssyncadd.tile.s32 @!p0 $0x1;
	_ =	shalt  }
.Lfunc_end2:
_tile_overlayer_lowered:
.L_overlay_start_2:
0x118: {  	(tag) =	ssettag $0x2  }
0x119: {  	s0 =	rddreg [dreg:$0x0];
	s2 =	stileid.u32  }
0x11a: {  	s1 =	rddreg [dreg:$0x1];
	p0 =	sne.s32 s2, $0x0  }
0x11b: {  	s3 =	rddreg [dreg:$0x2];
	[bflag:$0x3] =	sbarrier.arrive $0xFFFF;
	s2 =	simm.s32 @!p0 $0x1C05  }
0x11c: {  	[timem:s3], [sflag:s2] =	dma.local @!p0 [hbm:s0], s1  }
0x11d: {  	s0 =	simm.s32 @!p0 $0x5  }
0x11e: {  	_ =	swait.ge @!p0 [sflag:s0], s1  }
0x11f: {  	s1 =	ssub.s32 @!p0 $0x0, s1;
	[sflag:s0] =	ssyncset.done @!p0 $0x0  }
0x120: {  	[sflag:s0] =	ssyncadd.s32 @!p0 s1  }
0x121: {  	[bflag:$0x3] =	sbarrier.arrive $0xFFFF  }
0x122: {  	_ =	shalt  }

</sc_bundles>
